<compile_context>
chip_gen: v7x
topology: tpu7x:2x2x1
jax: 0.10.2.dev20260603
libtpu: 0.0.44.dev20260713+nightly
codegen_flags: <defaults>
</compile_context>

<pallas_src>
import jax
import jax.numpy as jnp
from jax import lax
from jax.experimental import pallas as pl
from jax.experimental.pallas import tpu as pltpu
from jax.experimental.pallas import tpu_sc as plsc

_B = 128
_NDOCS = 1000000
_EMB = 64
_K = 8
_BLK = 10000
_NBLK = _NDOCS // _BLK

_NEG_INF = float("-inf")
_IMAX = 2147483647

_SC_NC = 2
_SC_NS = 16
_SC_NW = _SC_NC * _SC_NS


def _dotT(a, w, precision=None):
    return lax.dot_general(a, w, (((1,), (1,)), ((), ())),
                           preferred_element_type=jnp.float32,
                           precision=precision)



_CH = 200
_NCH = _BLK // _CH


def _extract8(cand, candidx, axis):
    ms, sels = [], []
    for _ in range(_K):
        m = jnp.max(cand, axis=axis, keepdims=True)
        eq = cand == m
        sel = jnp.min(jnp.where(eq, candidx, _IMAX), axis=axis, keepdims=True)
        ms.append(m)
        sels.append(sel)
        cand = jnp.where(eq & (candidx == sel), _NEG_INF, cand)
    return jnp.concatenate(ms, axis=axis), jnp.concatenate(sels, axis=axis)


def _topk_body(patient_ref, wpe_ref, bpe_ref, corpus_ref,
               scores_out, idx_out, pemb_s, runs_s, runi_s):
    i = pl.program_id(0)

    @pl.when(i == 0)
    def _init():
        pe = _dotT(patient_ref[...], wpe_ref[...]) + bpe_ref[...]
        n = jnp.sqrt(jnp.sum(pe * pe, axis=1, keepdims=True))
        pemb_s[...] = pe / jnp.maximum(n, 1e-12)
        runs_s[...] = jnp.full((_K, _B), _NEG_INF, jnp.float32)
        runi_s[...] = jnp.zeros((_K, _B), jnp.int32)

    c = corpus_ref[...]
    n = jnp.sqrt(jnp.sum(c * c, axis=1, keepdims=True))
    cn = c / jnp.maximum(n, 1e-12)
    sims = _dotT(cn, pemb_s[...])

    old_s = runs_s[...]
    old_i = runi_s[...]

    x3 = sims.reshape(_NCH, _CH, _B)
    cmax = jnp.max(x3, axis=1)
    eqc = x3 == cmax[:, None, :]
    off3 = lax.broadcasted_iota(jnp.int32, (_NCH, _CH, _B), 1)
    coff = jnp.min(jnp.where(eqc, off3, _CH), axis=1)
    cidx = i * _BLK + lax.broadcasted_iota(jnp.int32, (_NCH, _B), 0) * _CH + coff

    new_s, new_i = _extract8(jnp.concatenate([cmax, old_s], axis=0),
                             jnp.concatenate([cidx, old_i], axis=0), 0)

    t8 = new_s[_K - 1:_K, :]
    cnt = jnp.sum((sims >= t8).astype(jnp.int32), axis=0, keepdims=True)
    sb = jnp.sum((new_i >= i * _BLK).astype(jnp.int32), axis=0, keepdims=True)
    ok = jnp.all(cnt <= sb)

    runs_s[...] = new_s
    runi_s[...] = new_i

    @pl.when(jnp.logical_not(ok))
    def _fallback():
        gidx = i * _BLK + lax.broadcasted_iota(jnp.int32, (_BLK, _B), 0)
        fs, fi = _extract8(jnp.concatenate([sims, old_s], axis=0),
                           jnp.concatenate([gidx, old_i], axis=0), 0)
        runs_s[...] = fs
        runi_s[...] = fi

    @pl.when(i == _NBLK - 1)
    def _fin():
        scores_out[...] = runs_s[...]
        idx_out[...] = runi_s[...]


def _topk_call(patient, Wpe, bpe2d, corpus):
    return pl.pallas_call(
        _topk_body,
        grid=(_NBLK,),
        in_specs=[
            pl.BlockSpec((_B, patient.shape[1]), lambda i: (0, 0)),
            pl.BlockSpec(Wpe.shape, lambda i: (0, 0)),
            pl.BlockSpec(bpe2d.shape, lambda i: (0, 0)),
            pl.BlockSpec((_BLK, _EMB), lambda i: (i, 0)),
        ],
        out_specs=[
            pl.BlockSpec((_K, _B), lambda i: (0, 0)),
            pl.BlockSpec((_K, _B), lambda i: (0, 0)),
        ],
        out_shape=[
            jax.ShapeDtypeStruct((_K, _B), jnp.float32),
            jax.ShapeDtypeStruct((_K, _B), jnp.int32),
        ],
        scratch_shapes=[
            pltpu.VMEM((_B, _EMB), jnp.float32),
            pltpu.VMEM((_K, _B), jnp.float32),
            pltpu.VMEM((_K, _B), jnp.int32),
        ],
        compiler_params=pltpu.CompilerParams(
            dimension_semantics=("arbitrary",)),
    )(patient, Wpe, bpe2d, corpus)



def _gather_body(table_hbm, idx_hbm, out_hbm, idx_v, rows_v, sem):
    wid = lax.axis_index("s") * _SC_NC + lax.axis_index("c")
    bpw = (_B * _K) // _SC_NW
    base = wid * bpw
    pltpu.sync_copy(idx_hbm.at[pl.ds(base, bpw)], idx_v)
    pltpu.async_copy(table_hbm.at[idx_v], rows_v, sem).wait()
    pltpu.sync_copy(rows_v, out_hbm.at[pl.ds(base, bpw)])


def _gather_call(corpus_pairs, idx2_flat):
    bpw = (_B * _K) // _SC_NW
    mesh = plsc.VectorSubcoreMesh(core_axis_name="c", subcore_axis_name="s")
    k = pl.kernel(
        _gather_body,
        mesh=mesh,
        out_type=jax.ShapeDtypeStruct((_B * _K, 2 * _EMB), jnp.float32),
        scratch_types=[
            pltpu.VMEM((bpw,), jnp.int32),
            pltpu.VMEM((bpw, 2 * _EMB), jnp.float32),
            pltpu.SemaphoreType.DMA,
        ],
    )
    return k(corpus_pairs, idx2_flat)



def _mlp_body(conf_ref, pairs_ref, par_ref, treat_ref,
              w1_ref, b1_ref, g1_ref, be1_ref,
              w2_ref, b2_ref, g2_ref, be2_ref,
              w3_ref, b3_ref,
              wo1_ref, bo1_ref, wo2_ref, bo2_ref,
              wt1_ref, bt1_ref, wt2_ref, bt2_ref,
              wg1_ref, bg1_ref, wg2_ref, bg2_ref,
              fact_out, prop_out, targ_out, cf_out):
    def ln(x, g, b):
        m = jnp.mean(x, axis=1, keepdims=True)
        v = jnp.mean((x - m) ** 2, axis=1, keepdims=True)
        return (x - m) / jnp.sqrt(v + 1e-5) * g + b

    pairs = pairs_ref[...]
    par = par_ref[...]
    parts = []
    for k in range(_K):
        seg = pairs[:, k * 2 * _EMB:(k + 1) * 2 * _EMB]
        m = par[:, k:k + 1] == 0
        parts.append(jnp.where(m, seg[:, :_EMB], seg[:, _EMB:]))

    x = jnp.concatenate([conf_ref[...]] + parts, axis=1)
    h = ln(jax.nn.relu(_dotT(x, w1_ref[...]) + b1_ref[...]),
           g1_ref[...], be1_ref[...])
    h = ln(jax.nn.relu(_dotT(h, w2_ref[...]) + b2_ref[...]),
           g2_ref[...], be2_ref[...])
    shared = _dotT(h, w3_ref[...]) + b3_ref[...]

    t1 = jax.nn.relu(_dotT(shared, wt1_ref[...]) + bt1_ref[...])
    logits = _dotT(t1, wt2_ref[...]) + bt2_ref[...]
    lm = jnp.max(logits, axis=1, keepdims=True)
    e = jnp.exp(logits - lm)
    prop_out[...] = e / jnp.sum(e, axis=1, keepdims=True)

    def out_head(tvec, w_a, b_a, w_b_row, b_b_scalar):
        ci = jnp.concatenate([shared, tvec], axis=1)
        o1 = jax.nn.relu(_dotT(ci, w_a) + b_a)
        return jnp.sum(o1 * w_b_row, axis=1, keepdims=True) + b_b_scalar

    bo2_s = bo2_ref[0]
    bg2_s = bg2_ref[0]
    fact_out[...] = out_head(treat_ref[...], wo1_ref[...], bo1_ref[...],
                             wo2_ref[...], bo2_s)
    targ_out[...] = out_head(treat_ref[...], wg1_ref[...], bg1_ref[...],
                             wg2_ref[...], bg2_s)
    ones = jnp.ones((_B, 1), jnp.float32)
    zeros = jnp.zeros((_B, 1), jnp.float32)
    cf0 = out_head(jnp.concatenate([ones, zeros], axis=1),
                   wo1_ref[...], bo1_ref[...], wo2_ref[...], bo2_s)
    cf1 = out_head(jnp.concatenate([zeros, ones], axis=1),
                   wo1_ref[...], bo1_ref[...], wo2_ref[...], bo2_s)
    cf_out[...] = jnp.concatenate([cf0, cf1], axis=1)


def _mlp_call(conf, pairs, par, treat, weights):
    args = (conf, pairs, par, treat) + tuple(weights)
    specs = []
    for a in args:
        if a.ndim == 1:
            specs.append(pl.BlockSpec(memory_space=pltpu.SMEM))
        else:
            specs.append(pl.BlockSpec(memory_space=pltpu.VMEM))
    return pl.pallas_call(
        _mlp_body,
        in_specs=specs,
        out_shape=[
            jax.ShapeDtypeStruct((_B, 1), jnp.float32),
            jax.ShapeDtypeStruct((_B, 2), jnp.float32),
            jax.ShapeDtypeStruct((_B, 1), jnp.float32),
            jax.ShapeDtypeStruct((_B, 2), jnp.float32),
        ],
    )(conf, pairs, par, treat, *weights)




def kernel(patient, treatment, confounders, corpus_embeddings, Wpe, bpe,
           W1, b1, g1, be1, W2, b2, g2, be2, W3, b3,
           Wo1, bo1, Wo2, bo2, Wt1, bt1, Wt2, bt2, Wg1, bg1, Wg2, bg2):
    row = lambda v: v.reshape(1, -1)
    scores_t, idx_t = _topk_call(patient, Wpe, row(bpe), corpus_embeddings)
    scores, idx = scores_t.T, idx_t.T
    idx_flat = idx.reshape(_B * _K)
    corpus_pairs = corpus_embeddings.reshape(_NDOCS // 2, 2 * _EMB)
    gathered = _gather_call(corpus_pairs, idx_flat // 2)
    pairs = gathered.reshape(_B, _K * 2 * _EMB)
    par = idx % 2
    weights = (W1, row(b1), row(g1), row(be1),
               W2, row(b2), row(g2), row(be2),
               W3, row(b3),
               Wo1, row(bo1), Wo2, bo2,
               Wt1, row(bt1), Wt2, row(bt2),
               Wg1, row(bg1), Wg2, bg2)
    factual, propensity, targeted, cf = _mlp_call(
        confounders, pairs, par, treatment, weights)
    counterfactuals = cf.reshape(_B, 2, 1)
    return (factual, propensity, targeted, counterfactuals, scores, idx)

# --- scband reference (transcript-rebuilt; emitter-appended) ---
"""Pipeline reference for scband-dragonnet-causal-rag-78520592105867 (READ-ONLY COPY).

The authoritative reference and input builder live on the scoring server;
editing this copy changes nothing except your own understanding.
"""

import jax, jax.numpy as jnp
import numpy as np

B = 128; NDOCS = 1000000; EMB = 64; CONF = 64; TREAT = 2; OUT = 1; K = 8; HID = 256

def _lin(x, W, b):
    return x @ W.T + b

def _ln(x, g, b):
    m = x.mean(-1, keepdims=True)
    v = ((x - m) ** 2).mean(-1, keepdims=True)
    return (x - m) / jnp.sqrt(v + 1e-5) * g + b

def _l2norm(x):
    n = jnp.linalg.norm(x, axis=1, keepdims=True)
    return x / jnp.maximum(n, 1e-12)

def _mklin(k, out_dim, in_dim):
    k1, k2 = jax.random.split(k)
    s = 1.0 / np.sqrt(in_dim)
    W = jax.random.uniform(k1, (out_dim, in_dim), jnp.float32, -s, s)
    b = jax.random.uniform(k2, (out_dim,), jnp.float32, -s, s)
    return W, b

def setup_inputs(seed: int = 0):
    key = jax.random.key(seed)
    ks = jax.random.split(key, 16)
    confounders = jax.random.normal(ks[0], (B, CONF), jnp.float32)
    t_idx = jax.random.randint(ks[1], (B,), 0, TREAT)
    treatment = jax.nn.one_hot(t_idx, TREAT, dtype=jnp.float32)
    patient = jnp.concatenate([confounders, treatment], axis=1)
    corpus_embeddings = jax.random.normal(ks[2], (NDOCS, EMB), jnp.float32)
    Wpe, bpe = _mklin(ks[3], EMB, CONF + TREAT)
    W1, b1 = _mklin(ks[4], HID, CONF + EMB * K)
    g1 = jnp.ones((HID,), jnp.float32); be1 = jnp.zeros((HID,), jnp.float32)
    W2, b2 = _mklin(ks[5], HID, HID)
    g2 = jnp.ones((HID,), jnp.float32); be2 = jnp.zeros((HID,), jnp.float32)
    W3, b3 = _mklin(ks[6], HID // 2, HID)
    Wo1, bo1 = _mklin(ks[7], HID // 4, HID // 2 + TREAT)
    Wo2, bo2 = _mklin(ks[8], OUT, HID // 4)
    Wt1, bt1 = _mklin(ks[9], HID // 4, HID // 2)
    Wt2, bt2 = _mklin(ks[10], TREAT, HID // 4)
    Wg1, bg1 = _mklin(ks[11], HID // 4, HID // 2 + TREAT)
    Wg2, bg2 = _mklin(ks[12], OUT, HID // 4)
    return dict(patient=patient, treatment=treatment, confounders=confounders,
                corpus_embeddings=corpus_embeddings, Wpe=Wpe, bpe=bpe,
                W1=W1, b1=b1, g1=g1, be1=be1, W2=W2, b2=b2, g2=g2, be2=be2,
                W3=W3, b3=b3, Wo1=Wo1, bo1=bo1, Wo2=Wo2, bo2=bo2,
                Wt1=Wt1, bt1=bt1, Wt2=Wt2, bt2=bt2, Wg1=Wg1, bg1=bg1, Wg2=Wg2, bg2=bg2)

def reference(patient, treatment, confounders, corpus_embeddings, Wpe, bpe,
              W1, b1, g1, be1, W2, b2, g2, be2, W3, b3,
              Wo1, bo1, Wo2, bo2, Wt1, bt1, Wt2, bt2, Wg1, bg1, Wg2, bg2):
    # retrieve_documents
    patient_emb = _l2norm(_lin(patient, Wpe, bpe))
    corpus_norm = _l2norm(corpus_embeddings)
    similarity = patient_emb @ corpus_norm.T
    retrieval_scores, retrieval_indices = jax.lax.top_k(similarity, K)
    retrieved = jnp.take(corpus_embeddings, retrieval_indices, axis=0)  # [B, K, EMB]
    bsz = patient.shape[0]
    flat = retrieved.reshape(bsz, -1)
    # shared encoder
    h = _lin(jnp.concatenate([confounders, flat], axis=1), W1, b1)
    h = _ln(jax.nn.relu(h), g1, be1)
    h = _ln(jax.nn.relu(_lin(h, W2, b2)), g2, be2)
    shared = _lin(h, W3, b3)
    # treatment head (propensity)
    prop_logits = _lin(jax.nn.relu(_lin(shared, Wt1, bt1)), Wt2, bt2)
    propensity = jax.nn.softmax(prop_logits, axis=1)
    # outcome + targeted heads
    oin = jnp.concatenate([shared, treatment], axis=1)
    factual = _lin(jax.nn.relu(_lin(oin, Wo1, bo1)), Wo2, bo2)
    targeted = _lin(jax.nn.relu(_lin(oin, Wg1, bg1)), Wg2, bg2)
    # counterfactual predictions for each treatment arm
    cfs = []
    for t in range(TREAT):
        tv = jnp.zeros((bsz, TREAT), jnp.float32).at[:, t].set(1.0)
        ci = jnp.concatenate([shared, tv], axis=1)
        cfs.append(_lin(jax.nn.relu(_lin(ci, Wo1, bo1)), Wo2, bo2))
    counterfactuals = jnp.stack(cfs, axis=1)
    return (factual, propensity, targeted, counterfactuals, retrieval_scores, retrieval_indices)

if __name__ == "__main__":
    import jax
    _d = setup_inputs()
    print(jax.jit(kernel)(*tuple(_d.values())))

</pallas_src>

<mosaic_0001>
#map = affine_map<(d0, d1) -> (0, 0)>
#map1 = affine_map<(d0, d1) -> (0)>
module attributes {stable_mosaic.version = 14 : i64} {
  func.func @_gather_body(%arg0: i32, %arg1: i32, %arg2: memref<500000x128xf32, #tpu.memory_space<hbm>>, %arg3: memref<1024xi32, #tpu.memory_space<hbm>>, %arg4: memref<1024x128xf32, #tpu.memory_space<hbm>>, %arg5: memref<32xi32, #tpu.memory_space<vmem>>, %arg6: memref<32x128xf32, #tpu.memory_space<vmem>>, %arg7: memref<!tpu.dma_semaphore, #tpu.memory_space<semaphore_mem>>) attributes {dimension_semantics = [#tpu.dimension_semantics<core_parallel>, #tpu.dimension_semantics<subcore_parallel>], iteration_bounds = array<i64: 2, 16>, scalar_prefetch = 0 : i64, scratch_operands = 3 : i64, tpu.core_type = #tpu.core_type<sc_vector_subcore>, window_params = [{transform_indices = #map}, {transform_indices = #map1}, {transform_indices = #map}]} {
    %mul3A = arith.constant 2 : i32
    %mul3A_0 = arith.muli %arg1, %mul3A : i32
    %add3A = arith.addi %mul3A_0, %arg0 : i32
    %mul3A_1 = arith.constant 32 : i32
    %mul3A_2 = arith.muli %add3A, %mul3A_1 : i32
    "tpu.region"() ({
      %run_scoped3A = tpu.sem_alloc : memref<!tpu.dma_semaphore, #tpu.memory_space<semaphore_mem>>
      %dma_start3A_7 = tpu.memref_slice %arg3[%mul3A_2] : memref<1024xi32, #tpu.memory_space<hbm>> -> memref<32xi32, #tpu.memory_space<hbm>>
      %dma_start3A_8 = tpu.memref_slice %arg3[%mul3A_2] : memref<1024xi32, #tpu.memory_space<hbm>> -> memref<32xi32, #tpu.memory_space<hbm>>
      tpu.enqueue_dma source(%dma_start3A_8 : memref<32xi32, #tpu.memory_space<hbm>>) target(%arg5 : memref<32xi32, #tpu.memory_space<vmem>>) target_semaphore(%run_scoped3A : memref<!tpu.dma_semaphore, #tpu.memory_space<semaphore_mem>>)
      %dma_wait3A_9 = tpu.memref_slice %arg3[%mul3A_2] : memref<1024xi32, #tpu.memory_space<hbm>> -> memref<32xi32, #tpu.memory_space<hbm>>
      %dma_wait3A_10 = tpu.memref_slice %arg3[%mul3A_2] : memref<1024xi32, #tpu.memory_space<hbm>> -> memref<32xi32, #tpu.memory_space<hbm>>
      tpu.wait_dma2 semaphore(%run_scoped3A : memref<!tpu.dma_semaphore, #tpu.memory_space<semaphore_mem>>) src(%dma_wait3A_10 : memref<32xi32, #tpu.memory_space<hbm>>) dst(%arg5 : memref<32xi32, #tpu.memory_space<vmem>>)
      tpu.yield
    }) : () -> ()
    %dma_start3A = arith.constant 0 : i32
    %dma_start3A_3 = arith.constant 0 : i32
    %dma_start3A_4 = tpu.memref_slice %arg2[%dma_start3A, %dma_start3A_3] : memref<500000x128xf32, #tpu.memory_space<hbm>> -> memref<500000x128xf32, #tpu.memory_space<hbm>>
    tpu.enqueue_indirect_dma source(%dma_start3A_4 : memref<500000x128xf32, #tpu.memory_space<hbm>>) target(%arg6 : memref<32x128xf32, #tpu.memory_space<vmem>>) offsets(%arg5 : memref<32xi32, #tpu.memory_space<vmem>>) semaphore(%arg7 : memref<!tpu.dma_semaphore, #tpu.memory_space<semaphore_mem>>)
    %dma_wait3A = arith.constant 0 : i32
    %dma_wait3A_5 = arith.constant 0 : i32
    %dma_wait3A_6 = tpu.memref_slice %arg2[%dma_wait3A, %dma_wait3A_5] : memref<500000x128xf32, #tpu.memory_space<hbm>> -> memref<500000x128xf32, #tpu.memory_space<hbm>>
    tpu.wait_indirect_dma semaphore(%arg7 : memref<!tpu.dma_semaphore, #tpu.memory_space<semaphore_mem>>) src(%dma_wait3A_6 : memref<500000x128xf32, #tpu.memory_space<hbm>>) dst(%arg6 : memref<32x128xf32, #tpu.memory_space<vmem>>)
    "tpu.region"() ({
      %run_scoped3A = tpu.sem_alloc : memref<!tpu.dma_semaphore, #tpu.memory_space<semaphore_mem>>
      %dma_start3A_7 = arith.constant 0 : i32
      %dma_start3A_8 = tpu.memref_slice %arg4[%mul3A_2, %dma_start3A_7] : memref<1024x128xf32, #tpu.memory_space<hbm>> -> memref<32x128xf32, #tpu.memory_space<hbm>>
      %dma_start3A_9 = arith.constant 0 : i32
      %dma_start3A_10 = tpu.memref_slice %arg4[%mul3A_2, %dma_start3A_9] : memref<1024x128xf32, #tpu.memory_space<hbm>> -> memref<32x128xf32, #tpu.memory_space<hbm>>
      tpu.enqueue_dma source(%arg6 : memref<32x128xf32, #tpu.memory_space<vmem>>) target(%dma_start3A_10 : memref<32x128xf32, #tpu.memory_space<hbm>>) target_semaphore(%run_scoped3A : memref<!tpu.dma_semaphore, #tpu.memory_space<semaphore_mem>>)
      %dma_wait3A_11 = arith.constant 0 : i32
      %dma_wait3A_12 = tpu.memref_slice %arg4[%mul3A_2, %dma_wait3A_11] : memref<1024x128xf32, #tpu.memory_space<hbm>> -> memref<32x128xf32, #tpu.memory_space<hbm>>
      %dma_wait3A_13 = arith.constant 0 : i32
      %dma_wait3A_14 = tpu.memref_slice %arg4[%mul3A_2, %dma_wait3A_13] : memref<1024x128xf32, #tpu.memory_space<hbm>> -> memref<32x128xf32, #tpu.memory_space<hbm>>
      tpu.wait_dma2 semaphore(%run_scoped3A : memref<!tpu.dma_semaphore, #tpu.memory_space<semaphore_mem>>) src(%arg6 : memref<32x128xf32, #tpu.memory_space<vmem>>) dst(%dma_wait3A_14 : memref<32x128xf32, #tpu.memory_space<hbm>>)
      tpu.yield
    }) : () -> ()
    return
  }
}

module attributes {stable_mosaic.version = 14 : i64} {
  func.func @_topk_body(%arg0: i32, %arg1: memref<128x66xf32, #tpu.memory_space<vmem>>, %arg2: memref<64x66xf32, #tpu.memory_space<vmem>>, %arg3: memref<1x64xf32, #tpu.memory_space<vmem>>, %arg4: memref<10000x64xf32, #tpu.memory_space<vmem>>, %arg5: memref<8x128xf32, #tpu.memory_space<vmem>>, %arg6: memref<8x128xi32, #tpu.memory_space<vmem>>, %arg7: memref<128x64xf32, #tpu.memory_space<vmem>>, %arg8: memref<8x128xf32, #tpu.memory_space<vmem>>, %arg9: memref<8x128xi32, #tpu.memory_space<vmem>>) attributes {dimension_semantics = [#tpu.dimension_semantics<arbitrary>], iteration_bounds = array<i64: 100>, scalar_prefetch = 0 : i64, scratch_operands = 3 : i64, tpu.core_type = #tpu.core_type<tc>, window_params = [{pipeline_mode = #tpu.pipeline_mode<synchronous>, transform_indices = @transform_0, window_bounds = array<i64: 128, 66>}, {pipeline_mode = #tpu.pipeline_mode<synchronous>, transform_indices = @transform_1, window_bounds = array<i64: 64, 66>}, {pipeline_mode = #tpu.pipeline_mode<synchronous>, transform_indices = @transform_2, window_bounds = array<i64: 1, 64>}, {transform_indices = @transform_3, window_bounds = array<i64: 10000, 64>}, {pipeline_mode = #tpu.pipeline_mode<synchronous>, transform_indices = @transform_4, window_bounds = array<i64: 8, 128>}, {pipeline_mode = #tpu.pipeline_mode<synchronous>, transform_indices = @transform_5, window_bounds = array<i64: 8, 128>}]} {
    %eq3A = arith.constant 0 : i32
    %eq3A_0 = arith.cmpi eq, %arg0, %eq3A : i32
    %convert_element_type3A = arith.extui %eq3A_0 : i1 to i32
    %cond3A = arith.constant 0 : i32
    %cond3A_1 = arith.cmpi ne, %convert_element_type3A, %cond3A : i32
    scf.if %cond3A_1 {
      %get3A_202 = arith.constant 0 : index
      %get3A_203 = arith.constant 0 : index
      %get3A_204 = vector.load %arg1[%get3A_202, %get3A_203] : memref<128x66xf32, #tpu.memory_space<vmem>>, vector<128x66xf32>
      %get3A_205 = arith.constant 0 : index
      %get3A_206 = arith.constant 0 : index
      %get3A_207 = vector.load %arg2[%get3A_205, %get3A_206] : memref<64x66xf32, #tpu.memory_space<vmem>>, vector<64x66xf32>
      %dot_general3A_208 = arith.constant dense<0.000000e+00> : vector<128x64xf32>
      %dot_general3A_209 = tpu.matmul %get3A_204, %get3A_207, %dot_general3A_208 {dimension_numbers = #tpu.dot_dimension_numbers<[1], [1], [0], [0], [0, 0, 1, 0], [], []>, transpose_lhs_hint = false} : vector<128x66xf32>, vector<64x66xf32>, vector<128x64xf32> -> vector<128x64xf32>
      %get3A_210 = arith.constant 0 : index
      %get3A_211 = arith.constant 0 : index
      %get3A_212 = vector.load %arg3[%get3A_210, %get3A_211] : memref<1x64xf32, #tpu.memory_space<vmem>>, vector<1x64xf32>
      %add3A_213 = vector.broadcast %get3A_212 : vector<1x64xf32> to vector<128x64xf32>
      %add3A_214 = arith.addf %dot_general3A_209, %add3A_213 : vector<128x64xf32>
      %mul3A_215 = arith.mulf %add3A_214, %add3A_214 : vector<128x64xf32>
      %reduce_sum3A_216 = arith.constant dense<0.000000e+00> : vector<128xf32>
      %reduce_sum3A_217 = vector.multi_reduction <add>, %mul3A_215, %reduce_sum3A_216 [1] : vector<128x64xf32> to vector<128xf32>
      %broadcast_in_dim3A_218 = vector.shape_cast %reduce_sum3A_217 : vector<128xf32> to vector<128x1xf32>
      %sqrt3A_219 = math.sqrt %broadcast_in_dim3A_218 : vector<128x1xf32>
      %max3A_220 = arith.constant 9.99999996E-13 : f32
      %max3A_221 = vector.broadcast %max3A_220 : f32 to vector<128x1xf32>
      %max3A_222 = arith.maximumf %sqrt3A_219, %max3A_221 : vector<128x1xf32>
      %div3A_223 = vector.broadcast %max3A_222 : vector<128x1xf32> to vector<128x64xf32>
      %div3A_224 = arith.divf %add3A_214, %div3A_223 : vector<128x64xf32>
      %swap3A_225 = arith.constant 0 : index
      %swap3A_226 = arith.constant 0 : index
      %swap3A_227 = vector.load %arg7[%swap3A_225, %swap3A_226] : memref<128x64xf32, #tpu.memory_space<vmem>>, vector<128x64xf32>
      tpu.vector_store %arg7[%swap3A_225, %swap3A_226], %div3A_224 {strides = array<i32>} : memref<128x64xf32, #tpu.memory_space<vmem>>, vector<128x64xf32>,
      %broadcast_in_dim3A_228 = arith.constant 0xFF800000 : f32
      %broadcast_in_dim3A_229 = vector.broadcast %broadcast_in_dim3A_228 : f32 to vector<8x128xf32>
      %swap3A_230 = arith.constant 0 : index
      %swap3A_231 = arith.constant 0 : index
      %swap3A_232 = vector.load %arg8[%swap3A_230, %swap3A_231] : memref<8x128xf32, #tpu.memory_space<vmem>>, vector<8x128xf32>
      tpu.vector_store %arg8[%swap3A_230, %swap3A_231], %broadcast_in_dim3A_229 {strides = array<i32>} : memref<8x128xf32, #tpu.memory_space<vmem>>, vector<8x128xf32>,
      %broadcast_in_dim3A_233 = arith.constant 0 : i32
      %broadcast_in_dim3A_234 = vector.broadcast %broadcast_in_dim3A_233 : i32 to vector<8x128xi32>
      %swap3A_235 = arith.constant 0 : index
      %swap3A_236 = arith.constant 0 : index
      %swap3A_237 = vector.load %arg9[%swap3A_235, %swap3A_236] : memref<8x128xi32, #tpu.memory_space<vmem>>, vector<8x128xi32>
      tpu.vector_store %arg9[%swap3A_235, %swap3A_236], %broadcast_in_dim3A_234 {strides = array<i32>} : memref<8x128xi32, #tpu.memory_space<vmem>>, vector<8x128xi32>,
    } else {
    }
    %get3A = arith.constant 0 : index
    %get3A_2 = arith.constant 0 : index
    %get3A_3 = vector.load %arg4[%get3A, %get3A_2] : memref<10000x64xf32, #tpu.memory_space<vmem>>, vector<10000x64xf32>
    %mul3A = arith.mulf %get3A_3, %get3A_3 : vector<10000x64xf32>
    %reduce_sum3A = arith.constant dense<0.000000e+00> : vector<10000xf32>
    %reduce_sum3A_4 = vector.multi_reduction <add>, %mul3A, %reduce_sum3A [1] : vector<10000x64xf32> to vector<10000xf32>
    %broadcast_in_dim3A = vector.shape_cast %reduce_sum3A_4 : vector<10000xf32> to vector<10000x1xf32>
    %sqrt3A = math.sqrt %broadcast_in_dim3A : vector<10000x1xf32>
    %max3A = arith.constant 9.99999996E-13 : f32
    %max3A_5 = vector.broadcast %max3A : f32 to vector<10000x1xf32>
    %max3A_6 = arith.maximumf %sqrt3A, %max3A_5 : vector<10000x1xf32>
    %div3A = vector.broadcast %max3A_6 : vector<10000x1xf32> to vector<10000x64xf32>
    %div3A_7 = arith.divf %get3A_3, %div3A : vector<10000x64xf32>
    %get3A_8 = arith.constant 0 : index
    %get3A_9 = arith.constant 0 : index
    %get3A_10 = vector.load %arg7[%get3A_8, %get3A_9] : memref<128x64xf32, #tpu.memory_space<vmem>>, vector<128x64xf32>
    %dot_general3A = arith.constant dense<0.000000e+00> : vector<10000x128xf32>
    %dot_general3A_11 = tpu.matmul %div3A_7, %get3A_10, %dot_general3A {dimension_numbers = #tpu.dot_dimension_numbers<[1], [1], [0], [0], [0, 0, 1, 0], [], []>, transpose_lhs_hint = false} : vector<10000x64xf32>, vector<128x64xf32>, vector<10000x128xf32> -> vector<10000x128xf32>
    %get3A_12 = arith.constant 0 : index
    %get3A_13 = arith.constant 0 : index
    %get3A_14 = vector.load %arg8[%get3A_12, %get3A_13] : memref<8x128xf32, #tpu.memory_space<vmem>>, vector<8x128xf32>
    %get3A_15 = arith.constant 0 : index
    %get3A_16 = arith.constant 0 : index
    %get3A_17 = vector.load %arg9[%get3A_15, %get3A_16] : memref<8x128xi32, #tpu.memory_space<vmem>>, vector<8x128xi32>
    %reshape3A = vector.shape_cast %dot_general3A_11 : vector<10000x128xf32> to vector<50x200x128xf32>
    %reduce_max3A = arith.constant dense<0xFF800000> : vector<50x128xf32>
    %reduce_max3A_18 = vector.multi_reduction <maximumf>, %reshape3A, %reduce_max3A [1] : vector<50x200x128xf32> to vector<50x128xf32>
    %broadcast_in_dim3A_19 = vector.shape_cast %reduce_max3A_18 : vector<50x128xf32> to vector<50x1x128xf32>
    %eq3A_20 = vector.broadcast %broadcast_in_dim3A_19 : vector<50x1x128xf32> to vector<50x200x128xf32>
    %eq3A_21 = arith.cmpf oeq, %reshape3A, %eq3A_20 : vector<50x200x128xf32>
    %iota3A = tpu.iota {dimensions = array<i32: 1>} : vector<50x200x128xi32>
    %jit3A = arith.constant 200 : i32
    %broadcast_in_dim3A_22 = vector.broadcast %jit3A : i32 to vector<50x200x128xi32>
    %select_n3A = arith.select %eq3A_21, %iota3A, %broadcast_in_dim3A_22 : vector<50x200x128xi1>, vector<50x200x128xi32>
    %reduce_min3A = arith.constant dense<2147483647> : vector<50x128xi32>
    %reduce_min3A_23 = vector.multi_reduction <minsi>, %select_n3A, %reduce_min3A [1] : vector<50x200x128xi32> to vector<50x128xi32>
    %mul3A_24 = arith.constant 10000 : i32
    %mul3A_25 = arith.muli %arg0, %mul3A_24 : i32
    %iota3A_26 = tpu.iota {dimensions = array<i32: 0>} : vector<50x128xi32>
    %mul3A_27 = arith.constant 200 : i32
    %mul3A_28 = vector.broadcast %mul3A_27 : i32 to vector<50x128xi32>
    %mul3A_29 = arith.muli %iota3A_26, %mul3A_28 : vector<50x128xi32>
    %add3A = vector.broadcast %mul3A_25 : i32 to vector<50x128xi32>
    %add3A_30 = arith.addi %add3A, %mul3A_29 : vector<50x128xi32>
    %add3A_31 = arith.addi %add3A_30, %reduce_min3A_23 : vector<50x128xi32>
    %concatenate3A = tpu.concatenate %reduce_max3A_18, %get3A_14 in 0 : vector<50x128xf32>, vector<8x128xf32> -> vector<58x128xf32>
    %concatenate3A_32 = tpu.concatenate %add3A_31, %get3A_17 in 0 : vector<50x128xi32>, vector<8x128xi32> -> vector<58x128xi32>
    %reduce_max3A_33 = arith.constant dense<0xFF800000> : vector<128xf32>
    %reduce_max3A_34 = vector.multi_reduction <maximumf>, %concatenate3A, %reduce_max3A_33 [0] : vector<58x128xf32> to vector<128xf32>
    %broadcast_in_dim3A_35 = vector.shape_cast %reduce_max3A_34 : vector<128xf32> to vector<1x128xf32>
    %eq3A_36 = vector.broadcast %broadcast_in_dim3A_35 : vector<1x128xf32> to vector<58x128xf32>
    %eq3A_37 = arith.cmpf oeq, %concatenate3A, %eq3A_36 : vector<58x128xf32>
    %jit3A_38 = arith.constant 2147483647 : i32
    %broadcast_in_dim3A_39 = vector.broadcast %jit3A_38 : i32 to vector<58x128xi32>
    %select_n3A_40 = arith.select %eq3A_37, %concatenate3A_32, %broadcast_in_dim3A_39 : vector<58x128xi1>, vector<58x128xi32>
    %reduce_min3A_41 = arith.constant dense<2147483647> : vector<128xi32>
    %reduce_min3A_42 = vector.multi_reduction <minsi>, %select_n3A_40, %reduce_min3A_41 [0] : vector<58x128xi32> to vector<128xi32>
    %broadcast_in_dim3A_43 = vector.shape_cast %reduce_min3A_42 : vector<128xi32> to vector<1x128xi32>
    %eq3A_44 = vector.broadcast %broadcast_in_dim3A_43 : vector<1x128xi32> to vector<58x128xi32>
    %eq3A_45 = arith.cmpi eq, %concatenate3A_32, %eq3A_44 : vector<58x128xi32>
    %and3A = arith.andi %eq3A_37, %eq3A_45 : vector<58x128xi1>
    %jit3A_46 = arith.constant 0xFF800000 : f32
    %broadcast_in_dim3A_47 = vector.broadcast %jit3A_46 : f32 to vector<58x128xf32>
    %select_n3A_48 = arith.select %and3A, %broadcast_in_dim3A_47, %concatenate3A : vector<58x128xi1>, vector<58x128xf32>
    %reduce_max3A_49 = arith.constant dense<0xFF800000> : vector<128xf32>
    %reduce_max3A_50 = vector.multi_reduction <maximumf>, %select_n3A_48, %reduce_max3A_49 [0] : vector<58x128xf32> to vector<128xf32>
    %broadcast_in_dim3A_51 = vector.shape_cast %reduce_max3A_50 : vector<128xf32> to vector<1x128xf32>
    %eq3A_52 = vector.broadcast %broadcast_in_dim3A_51 : vector<1x128xf32> to vector<58x128xf32>
    %eq3A_53 = arith.cmpf oeq, %select_n3A_48, %eq3A_52 : vector<58x128xf32>
    %jit3A_54 = arith.constant 2147483647 : i32
    %broadcast_in_dim3A_55 = vector.broadcast %jit3A_54 : i32 to vector<58x128xi32>
    %select_n3A_56 = arith.select %eq3A_53, %concatenate3A_32, %broadcast_in_dim3A_55 : vector<58x128xi1>, vector<58x128xi32>
    %reduce_min3A_57 = arith.constant dense<2147483647> : vector<128xi32>
    %reduce_min3A_58 = vector.multi_reduction <minsi>, %select_n3A_56, %reduce_min3A_57 [0] : vector<58x128xi32> to vector<128xi32>
    %broadcast_in_dim3A_59 = vector.shape_cast %reduce_min3A_58 : vector<128xi32> to vector<1x128xi32>
    %eq3A_60 = vector.broadcast %broadcast_in_dim3A_59 : vector<1x128xi32> to vector<58x128xi32>
    %eq3A_61 = arith.cmpi eq, %concatenate3A_32, %eq3A_60 : vector<58x128xi32>
    %and3A_62 = arith.andi %eq3A_53, %eq3A_61 : vector<58x128xi1>
    %jit3A_63 = arith.constant 0xFF800000 : f32
    %broadcast_in_dim3A_64 = vector.broadcast %jit3A_63 : f32 to vector<58x128xf32>
    %select_n3A_65 = arith.select %and3A_62, %broadcast_in_dim3A_64, %select_n3A_48 : vector<58x128xi1>, vector<58x128xf32>
    %reduce_max3A_66 = arith.constant dense<0xFF800000> : vector<128xf32>
    %reduce_max3A_67 = vector.multi_reduction <maximumf>, %select_n3A_65, %reduce_max3A_66 [0] : vector<58x128xf32> to vector<128xf32>
    %broadcast_in_dim3A_68 = vector.shape_cast %reduce_max3A_67 : vector<128xf32> to vector<1x128xf32>
    %eq3A_69 = vector.broadcast %broadcast_in_dim3A_68 : vector<1x128xf32> to vector<58x128xf32>
    %eq3A_70 = arith.cmpf oeq, %select_n3A_65, %eq3A_69 : vector<58x128xf32>
    %jit3A_71 = arith.constant 2147483647 : i32
    %broadcast_in_dim3A_72 = vector.broadcast %jit3A_71 : i32 to vector<58x128xi32>
    %select_n3A_73 = arith.select %eq3A_70, %concatenate3A_32, %broadcast_in_dim3A_72 : vector<58x128xi1>, vector<58x128xi32>
    %reduce_min3A_74 = arith.constant dense<2147483647> : vector<128xi32>
    %reduce_min3A_75 = vector.multi_reduction <minsi>, %select_n3A_73, %reduce_min3A_74 [0] : vector<58x128xi32> to vector<128xi32>
    %broadcast_in_dim3A_76 = vector.shape_cast %reduce_min3A_75 : vector<128xi32> to vector<1x128xi32>
    %eq3A_77 = vector.broadcast %broadcast_in_dim3A_76 : vector<1x128xi32> to vector<58x128xi32>
    %eq3A_78 = arith.cmpi eq, %concatenate3A_32, %eq3A_77 : vector<58x128xi32>
    %and3A_79 = arith.andi %eq3A_70, %eq3A_78 : vector<58x128xi1>
    %jit3A_80 = arith.constant 0xFF800000 : f32
    %broadcast_in_dim3A_81 = vector.broadcast %jit3A_80 : f32 to vector<58x128xf32>
    %select_n3A_82 = arith.select %and3A_79, %broadcast_in_dim3A_81, %select_n3A_65 : vector<58x128xi1>, vector<58x128xf32>
    %reduce_max3A_83 = arith.constant dense<0xFF800000> : vector<128xf32>
    %reduce_max3A_84 = vector.multi_reduction <maximumf>, %select_n3A_82, %reduce_max3A_83 [0] : vector<58x128xf32> to vector<128xf32>
    %broadcast_in_dim3A_85 = vector.shape_cast %reduce_max3A_84 : vector<128xf32> to vector<1x128xf32>
    %eq3A_86 = vector.broadcast %broadcast_in_dim3A_85 : vector<1x128xf32> to vector<58x128xf32>
    %eq3A_87 = arith.cmpf oeq, %select_n3A_82, %eq3A_86 : vector<58x128xf32>
    %jit3A_88 = arith.constant 2147483647 : i32
    %broadcast_in_dim3A_89 = vector.broadcast %jit3A_88 : i32 to vector<58x128xi32>
    %select_n3A_90 = arith.select %eq3A_87, %concatenate3A_32, %broadcast_in_dim3A_89 : vector<58x128xi1>, vector<58x128xi32>
    %reduce_min3A_91 = arith.constant dense<2147483647> : vector<128xi32>
    %reduce_min3A_92 = vector.multi_reduction <minsi>, %select_n3A_90, %reduce_min3A_91 [0] : vector<58x128xi32> to vector<128xi32>
    %broadcast_in_dim3A_93 = vector.shape_cast %reduce_min3A_92 : vector<128xi32> to vector<1x128xi32>
    %eq3A_94 = vector.broadcast %broadcast_in_dim3A_93 : vector<1x128xi32> to vector<58x128xi32>
    %eq3A_95 = arith.cmpi eq, %concatenate3A_32, %eq3A_94 : vector<58x128xi32>
    %and3A_96 = arith.andi %eq3A_87, %eq3A_95 : vector<58x128xi1>
    %jit3A_97 = arith.constant 0xFF800000 : f32
    %broadcast_in_dim3A_98 = vector.broadcast %jit3A_97 : f32 to vector<58x128xf32>
    %select_n3A_99 = arith.select %and3A_96, %broadcast_in_dim3A_98, %select_n3A_82 : vector<58x128xi1>, vector<58x128xf32>
    %reduce_max3A_100 = arith.constant dense<0xFF800000> : vector<128xf32>
    %reduce_max3A_101 = vector.multi_reduction <maximumf>, %select_n3A_99, %reduce_max3A_100 [0] : vector<58x128xf32> to vector<128xf32>
    %broadcast_in_dim3A_102 = vector.shape_cast %reduce_max3A_101 : vector<128xf32> to vector<1x128xf32>
    %eq3A_103 = vector.broadcast %broadcast_in_dim3A_102 : vector<1x128xf32> to vector<58x128xf32>
    %eq3A_104 = arith.cmpf oeq, %select_n3A_99, %eq3A_103 : vector<58x128xf32>
    %jit3A_105 = arith.constant 2147483647 : i32
    %broadcast_in_dim3A_106 = vector.broadcast %jit3A_105 : i32 to vector<58x128xi32>
    %select_n3A_107 = arith.select %eq3A_104, %concatenate3A_32, %broadcast_in_dim3A_106 : vector<58x128xi1>, vector<58x128xi32>
    %reduce_min3A_108 = arith.constant dense<2147483647> : vector<128xi32>
    %reduce_min3A_109 = vector.multi_reduction <minsi>, %select_n3A_107, %reduce_min3A_108 [0] : vector<58x128xi32> to vector<128xi32>
    %broadcast_in_dim3A_110 = vector.shape_cast %reduce_min3A_109 : vector<128xi32> to vector<1x128xi32>
    %eq3A_111 = vector.broadcast %broadcast_in_dim3A_110 : vector<1x128xi32> to vector<58x128xi32>
    %eq3A_112 = arith.cmpi eq, %concatenate3A_32, %eq3A_111 : vector<58x128xi32>
    %and3A_113 = arith.andi %eq3A_104, %eq3A_112 : vector<58x128xi1>
    %jit3A_114 = arith.constant 0xFF800000 : f32
    %broadcast_in_dim3A_115 = vector.broadcast %jit3A_114 : f32 to vector<58x128xf32>
    %select_n3A_116 = arith.select %and3A_113, %broadcast_in_dim3A_115, %select_n3A_99 : vector<58x128xi1>, vector<58x128xf32>
    %reduce_max3A_117 = arith.constant dense<0xFF800000> : vector<128xf32>
    %reduce_max3A_118 = vector.multi_reduction <maximumf>, %select_n3A_116, %reduce_max3A_117 [0] : vector<58x128xf32> to vector<128xf32>
    %broadcast_in_dim3A_119 = vector.shape_cast %reduce_max3A_118 : vector<128xf32> to vector<1x128xf32>
    %eq3A_120 = vector.broadcast %broadcast_in_dim3A_119 : vector<1x128xf32> to vector<58x128xf32>
    %eq3A_121 = arith.cmpf oeq, %select_n3A_116, %eq3A_120 : vector<58x128xf32>
    %jit3A_122 = arith.constant 2147483647 : i32
    %broadcast_in_dim3A_123 = vector.broadcast %jit3A_122 : i32 to vector<58x128xi32>
    %select_n3A_124 = arith.select %eq3A_121, %concatenate3A_32, %broadcast_in_dim3A_123 : vector<58x128xi1>, vector<58x128xi32>
    %reduce_min3A_125 = arith.constant dense<2147483647> : vector<128xi32>
    %reduce_min3A_126 = vector.multi_reduction <minsi>, %select_n3A_124, %reduce_min3A_125 [0] : vector<58x128xi32> to vector<128xi32>
    %broadcast_in_dim3A_127 = vector.shape_cast %reduce_min3A_126 : vector<128xi32> to vector<1x128xi32>
    %eq3A_128 = vector.broadcast %broadcast_in_dim3A_127 : vector<1x128xi32> to vector<58x128xi32>
    %eq3A_129 = arith.cmpi eq, %concatenate3A_32, %eq3A_128 : vector<58x128xi32>
    %and3A_130 = arith.andi %eq3A_121, %eq3A_129 : vector<58x128xi1>
    %jit3A_131 = arith.constant 0xFF800000 : f32
    %broadcast_in_dim3A_132 = vector.broadcast %jit3A_131 : f32 to vector<58x128xf32>
    %select_n3A_133 = arith.select %and3A_130, %broadcast_in_dim3A_132, %select_n3A_116 : vector<58x128xi1>, vector<58x128xf32>
    %reduce_max3A_134 = arith.constant dense<0xFF800000> : vector<128xf32>
    %reduce_max3A_135 = vector.multi_reduction <maximumf>, %select_n3A_133, %reduce_max3A_134 [0] : vector<58x128xf32> to vector<128xf32>
    %broadcast_in_dim3A_136 = vector.shape_cast %reduce_max3A_135 : vector<128xf32> to vector<1x128xf32>
    %eq3A_137 = vector.broadcast %broadcast_in_dim3A_136 : vector<1x128xf32> to vector<58x128xf32>
    %eq3A_138 = arith.cmpf oeq, %select_n3A_133, %eq3A_137 : vector<58x128xf32>
    %jit3A_139 = arith.constant 2147483647 : i32
    %broadcast_in_dim3A_140 = vector.broadcast %jit3A_139 : i32 to vector<58x128xi32>
    %select_n3A_141 = arith.select %eq3A_138, %concatenate3A_32, %broadcast_in_dim3A_140 : vector<58x128xi1>, vector<58x128xi32>
    %reduce_min3A_142 = arith.constant dense<2147483647> : vector<128xi32>
    %reduce_min3A_143 = vector.multi_reduction <minsi>, %select_n3A_141, %reduce_min3A_142 [0] : vector<58x128xi32> to vector<128xi32>
    %broadcast_in_dim3A_144 = vector.shape_cast %reduce_min3A_143 : vector<128xi32> to vector<1x128xi32>
    %eq3A_145 = vector.broadcast %broadcast_in_dim3A_144 : vector<1x128xi32> to vector<58x128xi32>
    %eq3A_146 = arith.cmpi eq, %concatenate3A_32, %eq3A_145 : vector<58x128xi32>
    %and3A_147 = arith.andi %eq3A_138, %eq3A_146 : vector<58x128xi1>
    %jit3A_148 = arith.constant 0xFF800000 : f32
    %broadcast_in_dim3A_149 = vector.broadcast %jit3A_148 : f32 to vector<58x128xf32>
    %select_n3A_150 = arith.select %and3A_147, %broadcast_in_dim3A_149, %select_n3A_133 : vector<58x128xi1>, vector<58x128xf32>
    %reduce_max3A_151 = arith.constant dense<0xFF800000> : vector<128xf32>
    %reduce_max3A_152 = vector.multi_reduction <maximumf>, %select_n3A_150, %reduce_max3A_151 [0] : vector<58x128xf32> to vector<128xf32>
    %broadcast_in_dim3A_153 = vector.shape_cast %reduce_max3A_152 : vector<128xf32> to vector<1x128xf32>
    %eq3A_154 = vector.broadcast %broadcast_in_dim3A_153 : vector<1x128xf32> to vector<58x128xf32>
    %eq3A_155 = arith.cmpf oeq, %select_n3A_150, %eq3A_154 : vector<58x128xf32>
    %jit3A_156 = arith.constant 2147483647 : i32
    %broadcast_in_dim3A_157 = vector.broadcast %jit3A_156 : i32 to vector<58x128xi32>
    %select_n3A_158 = arith.select %eq3A_155, %concatenate3A_32, %broadcast_in_dim3A_157 : vector<58x128xi1>, vector<58x128xi32>
    %reduce_min3A_159 = arith.constant dense<2147483647> : vector<128xi32>
    %reduce_min3A_160 = vector.multi_reduction <minsi>, %select_n3A_158, %reduce_min3A_159 [0] : vector<58x128xi32> to vector<128xi32>
    %broadcast_in_dim3A_161 = vector.shape_cast %reduce_min3A_160 : vector<128xi32> to vector<1x128xi32>
    %concatenate3A_162 = tpu.concatenate %broadcast_in_dim3A_35, %broadcast_in_dim3A_51, %broadcast_in_dim3A_68, %broadcast_in_dim3A_85, %broadcast_in_dim3A_102, %broadcast_in_dim3A_119, %broadcast_in_dim3A_136, %broadcast_in_dim3A_153 in 0 : vector<1x128xf32>, vector<1x128xf32>, vector<1x128xf32>, vector<1x128xf32>, vector<1x128xf32>, vector<1x128xf32>, vector<1x128xf32>, vector<1x128xf32> -> vector<8x128xf32>
    %concatenate3A_163 = tpu.concatenate %broadcast_in_dim3A_43, %broadcast_in_dim3A_59, %broadcast_in_dim3A_76, %broadcast_in_dim3A_93, %broadcast_in_dim3A_110, %broadcast_in_dim3A_127, %broadcast_in_dim3A_144, %broadcast_in_dim3A_161 in 0 : vector<1x128xi32>, vector<1x128xi32>, vector<1x128xi32>, vector<1x128xi32>, vector<1x128xi32>, vector<1x128xi32>, vector<1x128xi32>, vector<1x128xi32> -> vector<8x128xi32>
    %slice3A = vector.extract_strided_slice %concatenate3A_162 {offsets = [7, 0], sizes = [1, 128], strides = [1, 1]} : vector<8x128xf32> to vector<1x128xf32>
    %ge3A = vector.broadcast %slice3A : vector<1x128xf32> to vector<10000x128xf32>
    %ge3A_164 = arith.cmpf oge, %dot_general3A_11, %ge3A : vector<10000x128xf32>
    %convert_element_type3A_165 = arith.extui %ge3A_164 : vector<10000x128xi1> to vector<10000x128xi32>
    %reduce_sum3A_166 = arith.constant dense<0> : vector<128xi32>
    %reduce_sum3A_167 = vector.multi_reduction <add>, %convert_element_type3A_165, %reduce_sum3A_166 [0] : vector<10000x128xi32> to vector<128xi32>
    %broadcast_in_dim3A_168 = vector.shape_cast %reduce_sum3A_167 : vector<128xi32> to vector<1x128xi32>
    %mul3A_169 = arith.constant 10000 : i32
    %mul3A_170 = arith.muli %arg0, %mul3A_169 : i32
    %ge3A_171 = vector.broadcast %mul3A_170 : i32 to vector<8x128xi32>
    %ge3A_172 = arith.cmpi sge, %concatenate3A_163, %ge3A_171 : vector<8x128xi32>
    %convert_element_type3A_173 = arith.extui %ge3A_172 : vector<8x128xi1> to vector<8x128xi32>
    %reduce_sum3A_174 = arith.constant dense<0> : vector<128xi32>
    %reduce_sum3A_175 = vector.multi_reduction <add>, %convert_element_type3A_173, %reduce_sum3A_174 [0] : vector<8x128xi32> to vector<128xi32>
    %broadcast_in_dim3A_176 = vector.shape_cast %reduce_sum3A_175 : vector<128xi32> to vector<1x128xi32>
    %le3A = arith.cmpi sle, %broadcast_in_dim3A_168, %broadcast_in_dim3A_176 : vector<1x128xi32>
    %reduce_and3A = arith.constant 1.000000e+00 : f32
    %reduce_and3A_177 = arith.constant 0.000000e+00 : f32
    %reduce_and3A_178 = vector.broadcast %reduce_and3A : f32 to vector<1x128xf32>
    %reduce_and3A_179 = vector.broadcast %reduce_and3A_177 : f32 to vector<1x128xf32>
    %reduce_and3A_180 = arith.select %le3A, %reduce_and3A_178, %reduce_and3A_179 : vector<1x128xi1>, vector<1x128xf32>
    %reduce_and3A_181 = vector.shape_cast %reduce_and3A_180 : vector<1x128xf32> to vector<1x1x128xf32>
    %reduce_and3A_182 = arith.constant dense<0x7F800000> : vector<1xf32>
    %reduce_and3A_183 = vector.multi_reduction <minimumf>, %reduce_and3A_181, %reduce_and3A_182 [1, 2] : vector<1x1x128xf32> to vector<1xf32>
    %reduce_and3A_184 = vector.shape_cast %reduce_and3A_183 : vector<1xf32> to vector<1x1x1xf32>
    %reduce_and3A_185 = vector.extract %reduce_and3A_184[0, 0, 0] : f32 from vector<1x1x1xf32>
    %reduce_and3A_186 = arith.constant 0.000000e+00 : f32
    %reduce_and3A_187 = arith.cmpf ogt, %reduce_and3A_185, %reduce_and3A_186 : f32
    %swap3A = arith.constant 0 : index
    %swap3A_188 = arith.constant 0 : index
    %swap3A_189 = vector.load %arg8[%swap3A, %swap3A_188] : memref<8x128xf32, #tpu.memory_space<vmem>>, vector<8x128xf32>
    tpu.vector_store %arg8[%swap3A, %swap3A_188], %concatenate3A_162 {strides = array<i32>} : memref<8x128xf32, #tpu.memory_space<vmem>>, vector<8x128xf32>,
    %swap3A_190 = arith.constant 0 : index
    %swap3A_191 = arith.constant 0 : index
    %swap3A_192 = vector.load %arg9[%swap3A_190, %swap3A_191] : memref<8x128xi32, #tpu.memory_space<vmem>>, vector<8x128xi32>
    tpu.vector_store %arg9[%swap3A_190, %swap3A_191], %concatenate3A_163 {strides = array<i32>} : memref<8x128xi32, #tpu.memory_space<vmem>>, vector<8x128xi32>,
    %not3A = arith.constant true
    %not3A_193 = arith.xori %reduce_and3A_187, %not3A : i1
    %convert_element_type3A_194 = arith.extui %not3A_193 : i1 to i32
    %cond3A_195 = arith.constant 0 : i32
    %cond3A_196 = arith.cmpi ne, %convert_element_type3A_194, %cond3A_195 : i32
    scf.if %cond3A_196 {
      %mul3A_202 = arith.constant 10000 : i32
      %mul3A_203 = arith.muli %arg0, %mul3A_202 : i32
      %iota3A_204 = tpu.iota {dimensions = array<i32: 0>} : vector<10000x128xi32>
      %add3A_205 = vector.broadcast %mul3A_203 : i32 to vector<10000x128xi32>
      %add3A_206 = arith.addi %add3A_205, %iota3A_204 : vector<10000x128xi32>
      %concatenate3A_207 = tpu.concatenate %dot_general3A_11, %get3A_14 in 0 : vector<10000x128xf32>, vector<8x128xf32> -> vector<10008x128xf32>
      %concatenate3A_208 = tpu.concatenate %add3A_206, %get3A_17 in 0 : vector<10000x128xi32>, vector<8x128xi32> -> vector<10008x128xi32>
      %reduce_max3A_209 = arith.constant dense<0xFF800000> : vector<128xf32>
      %reduce_max3A_210 = vector.multi_reduction <maximumf>, %concatenate3A_207, %reduce_max3A_209 [0] : vector<10008x128xf32> to vector<128xf32>
      %broadcast_in_dim3A_211 = vector.shape_cast %reduce_max3A_210 : vector<128xf32> to vector<1x128xf32>
      %eq3A_212 = vector.broadcast %broadcast_in_dim3A_211 : vector<1x128xf32> to vector<10008x128xf32>
      %eq3A_213 = arith.cmpf oeq, %concatenate3A_207, %eq3A_212 : vector<10008x128xf32>
      %jit3A_214 = arith.constant 2147483647 : i32
      %broadcast_in_dim3A_215 = vector.broadcast %jit3A_214 : i32 to vector<10008x128xi32>
      %select_n3A_216 = arith.select %eq3A_213, %concatenate3A_208, %broadcast_in_dim3A_215 : vector<10008x128xi1>, vector<10008x128xi32>
      %reduce_min3A_217 = arith.constant dense<2147483647> : vector<128xi32>
      %reduce_min3A_218 = vector.multi_reduction <minsi>, %select_n3A_216, %reduce_min3A_217 [0] : vector<10008x128xi32> to vector<128xi32>
      %broadcast_in_dim3A_219 = vector.shape_cast %reduce_min3A_218 : vector<128xi32> to vector<1x128xi32>
      %eq3A_220 = vector.broadcast %broadcast_in_dim3A_219 : vector<1x128xi32> to vector<10008x128xi32>
      %eq3A_221 = arith.cmpi eq, %concatenate3A_208, %eq3A_220 : vector<10008x128xi32>
      %and3A_222 = arith.andi %eq3A_213, %eq3A_221 : vector<10008x128xi1>
      %jit3A_223 = arith.constant 0xFF800000 : f32
      %broadcast_in_dim3A_224 = vector.broadcast %jit3A_223 : f32 to vector<10008x128xf32>
      %select_n3A_225 = arith.select %and3A_222, %broadcast_in_dim3A_224, %concatenate3A_207 : vector<10008x128xi1>, vector<10008x128xf32>
      %reduce_max3A_226 = arith.constant dense<0xFF800000> : vector<128xf32>
      %reduce_max3A_227 = vector.multi_reduction <maximumf>, %select_n3A_225, %reduce_max3A_226 [0] : vector<10008x128xf32> to vector<128xf32>
      %broadcast_in_dim3A_228 = vector.shape_cast %reduce_max3A_227 : vector<128xf32> to vector<1x128xf32>
      %eq3A_229 = vector.broadcast %broadcast_in_dim3A_228 : vector<1x128xf32> to vector<10008x128xf32>
      %eq3A_230 = arith.cmpf oeq, %select_n3A_225, %eq3A_229 : vector<10008x128xf32>
      %jit3A_231 = arith.constant 2147483647 : i32
      %broadcast_in_dim3A_232 = vector.broadcast %jit3A_231 : i32 to vector<10008x128xi32>
      %select_n3A_233 = arith.select %eq3A_230, %concatenate3A_208, %broadcast_in_dim3A_232 : vector<10008x128xi1>, vector<10008x128xi32>
      %reduce_min3A_234 = arith.constant dense<2147483647> : vector<128xi32>
      %reduce_min3A_235 = vector.multi_reduction <minsi>, %select_n3A_233, %reduce_min3A_234 [0] : vector<10008x128xi32> to vector<128xi32>
      %broadcast_in_dim3A_236 = vector.shape_cast %reduce_min3A_235 : vector<128xi32> to vector<1x128xi32>
      %eq3A_237 = vector.broadcast %broadcast_in_dim3A_236 : vector<1x128xi32> to vector<10008x128xi32>
      %eq3A_238 = arith.cmpi eq, %concatenate3A_208, %eq3A_237 : vector<10008x128xi32>
      %and3A_239 = arith.andi %eq3A_230, %eq3A_238 : vector<10008x128xi1>
      %jit3A_240 = arith.constant 0xFF800000 : f32
      %broadcast_in_dim3A_241 = vector.broadcast %jit3A_240 : f32 to vector<10008x128xf32>
      %select_n3A_242 = arith.select %and3A_239, %broadcast_in_dim3A_241, %select_n3A_225 : vector<10008x128xi1>, vector<10008x128xf32>
      %reduce_max3A_243 = arith.constant dense<0xFF800000> : vector<128xf32>
      %reduce_max3A_244 = vector.multi_reduction <maximumf>, %select_n3A_242, %reduce_max3A_243 [0] : vector<10008x128xf32> to vector<128xf32>
      %broadcast_in_dim3A_245 = vector.shape_cast %reduce_max3A_244 : vector<128xf32> to vector<1x128xf32>
      %eq3A_246 = vector.broadcast %broadcast_in_dim3A_245 : vector<1x128xf32> to vector<10008x128xf32>
      %eq3A_247 = arith.cmpf oeq, %select_n3A_242, %eq3A_246 : vector<10008x128xf32>
      %jit3A_248 = arith.constant 2147483647 : i32
      %broadcast_in_dim3A_249 = vector.broadcast %jit3A_248 : i32 to vector<10008x128xi32>
      %select_n3A_250 = arith.select %eq3A_247, %concatenate3A_208, %broadcast_in_dim3A_249 : vector<10008x128xi1>, vector<10008x128xi32>
      %reduce_min3A_251 = arith.constant dense<2147483647> : vector<128xi32>
      %reduce_min3A_252 = vector.multi_reduction <minsi>, %select_n3A_250, %reduce_min3A_251 [0] : vector<10008x128xi32> to vector<128xi32>
      %broadcast_in_dim3A_253 = vector.shape_cast %reduce_min3A_252 : vector<128xi32> to vector<1x128xi32>
      %eq3A_254 = vector.broadcast %broadcast_in_dim3A_253 : vector<1x128xi32> to vector<10008x128xi32>
      %eq3A_255 = arith.cmpi eq, %concatenate3A_208, %eq3A_254 : vector<10008x128xi32>
      %and3A_256 = arith.andi %eq3A_247, %eq3A_255 : vector<10008x128xi1>
      %jit3A_257 = arith.constant 0xFF800000 : f32
      %broadcast_in_dim3A_258 = vector.broadcast %jit3A_257 : f32 to vector<10008x128xf32>
      %select_n3A_259 = arith.select %and3A_256, %broadcast_in_dim3A_258, %select_n3A_242 : vector<10008x128xi1>, vector<10008x128xf32>
      %reduce_max3A_260 = arith.constant dense<0xFF800000> : vector<128xf32>
      %reduce_max3A_261 = vector.multi_reduction <maximumf>, %select_n3A_259, %reduce_max3A_260 [0] : vector<10008x128xf32> to vector<128xf32>
      %broadcast_in_dim3A_262 = vector.shape_cast %reduce_max3A_261 : vector<128xf32> to vector<1x128xf32>
      %eq3A_263 = vector.broadcast %broadcast_in_dim3A_262 : vector<1x128xf32> to vector<10008x128xf32>
      %eq3A_264 = arith.cmpf oeq, %select_n3A_259, %eq3A_263 : vector<10008x128xf32>
      %jit3A_265 = arith.constant 2147483647 : i32
      %broadcast_in_dim3A_266 = vector.broadcast %jit3A_265 : i32 to vector<10008x128xi32>
      %select_n3A_267 = arith.select %eq3A_264, %concatenate3A_208, %broadcast_in_dim3A_266 : vector<10008x128xi1>, vector<10008x128xi32>
      %reduce_min3A_268 = arith.constant dense<2147483647> : vector<128xi32>
      %reduce_min3A_269 = vector.multi_reduction <minsi>, %select_n3A_267, %reduce_min3A_268 [0] : vector<10008x128xi32> to vector<128xi32>
      %broadcast_in_dim3A_270 = vector.shape_cast %reduce_min3A_269 : vector<128xi32> to vector<1x128xi32>
      %eq3A_271 = vector.broadcast %broadcast_in_dim3A_270 : vector<1x128xi32> to vector<10008x128xi32>
      %eq3A_272 = arith.cmpi eq, %concatenate3A_208, %eq3A_271 : vector<10008x128xi32>
      %and3A_273 = arith.andi %eq3A_264, %eq3A_272 : vector<10008x128xi1>
      %jit3A_274 = arith.constant 0xFF800000 : f32
      %broadcast_in_dim3A_275 = vector.broadcast %jit3A_274 : f32 to vector<10008x128xf32>
      %select_n3A_276 = arith.select %and3A_273, %broadcast_in_dim3A_275, %select_n3A_259 : vector<10008x128xi1>, vector<10008x128xf32>
      %reduce_max3A_277 = arith.constant dense<0xFF800000> : vector<128xf32>
      %reduce_max3A_278 = vector.multi_reduction <maximumf>, %select_n3A_276, %reduce_max3A_277 [0] : vector<10008x128xf32> to vector<128xf32>
      %broadcast_in_dim3A_279 = vector.shape_cast %reduce_max3A_278 : vector<128xf32> to vector<1x128xf32>
      %eq3A_280 = vector.broadcast %broadcast_in_dim3A_279 : vector<1x128xf32> to vector<10008x128xf32>
      %eq3A_281 = arith.cmpf oeq, %select_n3A_276, %eq3A_280 : vector<10008x128xf32>
      %jit3A_282 = arith.constant 2147483647 : i32
      %broadcast_in_dim3A_283 = vector.broadcast %jit3A_282 : i32 to vector<10008x128xi32>
      %select_n3A_284 = arith.select %eq3A_281, %concatenate3A_208, %broadcast_in_dim3A_283 : vector<10008x128xi1>, vector<10008x128xi32>
      %reduce_min3A_285 = arith.constant dense<2147483647> : vector<128xi32>
      %reduce_min3A_286 = vector.multi_reduction <minsi>, %select_n3A_284, %reduce_min3A_285 [0] : vector<10008x128xi32> to vector<128xi32>
      %broadcast_in_dim3A_287 = vector.shape_cast %reduce_min3A_286 : vector<128xi32> to vector<1x128xi32>
      %eq3A_288 = vector.broadcast %broadcast_in_dim3A_287 : vector<1x128xi32> to vector<10008x128xi32>
      %eq3A_289 = arith.cmpi eq, %concatenate3A_208, %eq3A_288 : vector<10008x128xi32>
      %and3A_290 = arith.andi %eq3A_281, %eq3A_289 : vector<10008x128xi1>
      %jit3A_291 = arith.constant 0xFF800000 : f32
      %broadcast_in_dim3A_292 = vector.broadcast %jit3A_291 : f32 to vector<10008x128xf32>
      %select_n3A_293 = arith.select %and3A_290, %broadcast_in_dim3A_292, %select_n3A_276 : vector<10008x128xi1>, vector<10008x128xf32>
      %reduce_max3A_294 = arith.constant dense<0xFF800000> : vector<128xf32>
      %reduce_max3A_295 = vector.multi_reduction <maximumf>, %select_n3A_293, %reduce_max3A_294 [0] : vector<10008x128xf32> to vector<128xf32>
      %broadcast_in_dim3A_296 = vector.shape_cast %reduce_max3A_295 : vector<128xf32> to vector<1x128xf32>
      %eq3A_297 = vector.broadcast %broadcast_in_dim3A_296 : vector<1x128xf32> to vector<10008x128xf32>
      %eq3A_298 = arith.cmpf oeq, %select_n3A_293, %eq3A_297 : vector<10008x128xf32>
      %jit3A_299 = arith.constant 2147483647 : i32
      %broadcast_in_dim3A_300 = vector.broadcast %jit3A_299 : i32 to vector<10008x128xi32>
      %select_n3A_301 = arith.select %eq3A_298, %concatenate3A_208, %broadcast_in_dim3A_300 : vector<10008x128xi1>, vector<10008x128xi32>
      %reduce_min3A_302 = arith.constant dense<2147483647> : vector<128xi32>
      %reduce_min3A_303 = vector.multi_reduction <minsi>, %select_n3A_301, %reduce_min3A_302 [0] : vector<10008x128xi32> to vector<128xi32>
      %broadcast_in_dim3A_304 = vector.shape_cast %reduce_min3A_303 : vector<128xi32> to vector<1x128xi32>
      %eq3A_305 = vector.broadcast %broadcast_in_dim3A_304 : vector<1x128xi32> to vector<10008x128xi32>
      %eq3A_306 = arith.cmpi eq, %concatenate3A_208, %eq3A_305 : vector<10008x128xi32>
      %and3A_307 = arith.andi %eq3A_298, %eq3A_306 : vector<10008x128xi1>
      %jit3A_308 = arith.constant 0xFF800000 : f32
      %broadcast_in_dim3A_309 = vector.broadcast %jit3A_308 : f32 to vector<10008x128xf32>
      %select_n3A_310 = arith.select %and3A_307, %broadcast_in_dim3A_309, %select_n3A_293 : vector<10008x128xi1>, vector<10008x128xf32>
      %reduce_max3A_311 = arith.constant dense<0xFF800000> : vector<128xf32>
      %reduce_max3A_312 = vector.multi_reduction <maximumf>, %select_n3A_310, %reduce_max3A_311 [0] : vector<10008x128xf32> to vector<128xf32>
      %broadcast_in_dim3A_313 = vector.shape_cast %reduce_max3A_312 : vector<128xf32> to vector<1x128xf32>
      %eq3A_314 = vector.broadcast %broadcast_in_dim3A_313 : vector<1x128xf32> to vector<10008x128xf32>
      %eq3A_315 = arith.cmpf oeq, %select_n3A_310, %eq3A_314 : vector<10008x128xf32>
      %jit3A_316 = arith.constant 2147483647 : i32
      %broadcast_in_dim3A_317 = vector.broadcast %jit3A_316 : i32 to vector<10008x128xi32>
      %select_n3A_318 = arith.select %eq3A_315, %concatenate3A_208, %broadcast_in_dim3A_317 : vector<10008x128xi1>, vector<10008x128xi32>
      %reduce_min3A_319 = arith.constant dense<2147483647> : vector<128xi32>
      %reduce_min3A_320 = vector.multi_reduction <minsi>, %select_n3A_318, %reduce_min3A_319 [0] : vector<10008x128xi32> to vector<128xi32>
      %broadcast_in_dim3A_321 = vector.shape_cast %reduce_min3A_320 : vector<128xi32> to vector<1x128xi32>
      %eq3A_322 = vector.broadcast %broadcast_in_dim3A_321 : vector<1x128xi32> to vector<10008x128xi32>
      %eq3A_323 = arith.cmpi eq, %concatenate3A_208, %eq3A_322 : vector<10008x128xi32>
      %and3A_324 = arith.andi %eq3A_315, %eq3A_323 : vector<10008x128xi1>
      %jit3A_325 = arith.constant 0xFF800000 : f32
      %broadcast_in_dim3A_326 = vector.broadcast %jit3A_325 : f32 to vector<10008x128xf32>
      %select_n3A_327 = arith.select %and3A_324, %broadcast_in_dim3A_326, %select_n3A_310 : vector<10008x128xi1>, vector<10008x128xf32>
      %reduce_max3A_328 = arith.constant dense<0xFF800000> : vector<128xf32>
      %reduce_max3A_329 = vector.multi_reduction <maximumf>, %select_n3A_327, %reduce_max3A_328 [0] : vector<10008x128xf32> to vector<128xf32>
      %broadcast_in_dim3A_330 = vector.shape_cast %reduce_max3A_329 : vector<128xf32> to vector<1x128xf32>
      %eq3A_331 = vector.broadcast %broadcast_in_dim3A_330 : vector<1x128xf32> to vector<10008x128xf32>
      %eq3A_332 = arith.cmpf oeq, %select_n3A_327, %eq3A_331 : vector<10008x128xf32>
      %jit3A_333 = arith.constant 2147483647 : i32
      %broadcast_in_dim3A_334 = vector.broadcast %jit3A_333 : i32 to vector<10008x128xi32>
      %select_n3A_335 = arith.select %eq3A_332, %concatenate3A_208, %broadcast_in_dim3A_334 : vector<10008x128xi1>, vector<10008x128xi32>
      %reduce_min3A_336 = arith.constant dense<2147483647> : vector<128xi32>
      %reduce_min3A_337 = vector.multi_reduction <minsi>, %select_n3A_335, %reduce_min3A_336 [0] : vector<10008x128xi32> to vector<128xi32>
      %broadcast_in_dim3A_338 = vector.shape_cast %reduce_min3A_337 : vector<128xi32> to vector<1x128xi32>
      %concatenate3A_339 = tpu.concatenate %broadcast_in_dim3A_211, %broadcast_in_dim3A_228, %broadcast_in_dim3A_245, %broadcast_in_dim3A_262, %broadcast_in_dim3A_279, %broadcast_in_dim3A_296, %broadcast_in_dim3A_313, %broadcast_in_dim3A_330 in 0 : vector<1x128xf32>, vector<1x128xf32>, vector<1x128xf32>, vector<1x128xf32>, vector<1x128xf32>, vector<1x128xf32>, vector<1x128xf32>, vector<1x128xf32> -> vector<8x128xf32>
      %concatenate3A_340 = tpu.concatenate %broadcast_in_dim3A_219, %broadcast_in_dim3A_236, %broadcast_in_dim3A_253, %broadcast_in_dim3A_270, %broadcast_in_dim3A_287, %broadcast_in_dim3A_304, %broadcast_in_dim3A_321, %broadcast_in_dim3A_338 in 0 : vector<1x128xi32>, vector<1x128xi32>, vector<1x128xi32>, vector<1x128xi32>, vector<1x128xi32>, vector<1x128xi32>, vector<1x128xi32>, vector<1x128xi32> -> vector<8x128xi32>
      %swap3A_341 = arith.constant 0 : index
      %swap3A_342 = arith.constant 0 : index
      %swap3A_343 = vector.load %arg8[%swap3A_341, %swap3A_342] : memref<8x128xf32, #tpu.memory_space<vmem>>, vector<8x128xf32>
      tpu.vector_store %arg8[%swap3A_341, %swap3A_342], %concatenate3A_339 {strides = array<i32>} : memref<8x128xf32, #tpu.memory_space<vmem>>, vector<8x128xf32>,
      %swap3A_344 = arith.constant 0 : index
      %swap3A_345 = arith.constant 0 : index
      %swap3A_346 = vector.load %arg9[%swap3A_344, %swap3A_345] : memref<8x128xi32, #tpu.memory_space<vmem>>, vector<8x128xi32>
      tpu.vector_store %arg9[%swap3A_344, %swap3A_345], %concatenate3A_340 {strides = array<i32>} : memref<8x128xi32, #tpu.memory_space<vmem>>, vector<8x128xi32>,
    } else {
    }
    %eq3A_197 = arith.constant 99 : i32
    %eq3A_198 = arith.cmpi eq, %arg0, %eq3A_197 : i32
    %convert_element_type3A_199 = arith.extui %eq3A_198 : i1 to i32
    %cond3A_200 = arith.constant 0 : i32
    %cond3A_201 = arith.cmpi ne, %convert_element_type3A_199, %cond3A_200 : i32
    scf.if %cond3A_201 {
      %get3A_202 = arith.constant 0 : index
      %get3A_203 = arith.constant 0 : index
      %get3A_204 = vector.load %arg8[%get3A_202, %get3A_203] : memref<8x128xf32, #tpu.memory_space<vmem>>, vector<8x128xf32>
      %swap3A_205 = arith.constant 0 : index
      %swap3A_206 = arith.constant 0 : index
      %swap3A_207 = vector.load %arg5[%swap3A_205, %swap3A_206] : memref<8x128xf32, #tpu.memory_space<vmem>>, vector<8x128xf32>
      tpu.vector_store %arg5[%swap3A_205, %swap3A_206], %get3A_204 {strides = array<i32>} : memref<8x128xf32, #tpu.memory_space<vmem>>, vector<8x128xf32>,
      %get3A_208 = arith.constant 0 : index
      %get3A_209 = arith.constant 0 : index
      %get3A_210 = vector.load %arg9[%get3A_208, %get3A_209] : memref<8x128xi32, #tpu.memory_space<vmem>>, vector<8x128xi32>
      %swap3A_211 = arith.constant 0 : index
      %swap3A_212 = arith.constant 0 : index
      %swap3A_213 = vector.load %arg6[%swap3A_211, %swap3A_212] : memref<8x128xi32, #tpu.memory_space<vmem>>, vector<8x128xi32>
      tpu.vector_store %arg6[%swap3A_211, %swap3A_212], %get3A_210 {strides = array<i32>} : memref<8x128xi32, #tpu.memory_space<vmem>>, vector<8x128xi32>,
    } else {
    }
    return
  }
  func.func @transform_0(%arg0: i32) -> (i32, i32) {
    %c0_i32 = arith.constant 0 : i32
    %c0_i32_0 = arith.constant 0 : i32
    %c0_i32_1 = arith.constant 0 : i32
    return %c0_i32, %c0_i32_0 : i32, i32
  }
  func.func @transform_1(%arg0: i32) -> (i32, i32) {
    %c0_i32 = arith.constant 0 : i32
    %c0_i32_0 = arith.constant 0 : i32
    %c0_i32_1 = arith.constant 0 : i32
    return %c0_i32, %c0_i32_0 : i32, i32
  }
  func.func @transform_2(%arg0: i32) -> (i32, i32) {
    %c0_i32 = arith.constant 0 : i32
    %c0_i32_0 = arith.constant 0 : i32
    %c0_i32_1 = arith.constant 0 : i32
    return %c0_i32, %c0_i32_0 : i32, i32
  }
  func.func @transform_3(%arg0: i32) -> (i32, i32) {
    %c0_i32 = arith.constant 0 : i32
    %c0_i32_0 = arith.constant 0 : i32
    return %arg0, %c0_i32 : i32, i32
  }
  func.func @transform_4(%arg0: i32) -> (i32, i32) {
    %c0_i32 = arith.constant 0 : i32
    %c0_i32_0 = arith.constant 0 : i32
    %c0_i32_1 = arith.constant 0 : i32
    return %c0_i32, %c0_i32_0 : i32, i32
  }
  func.func @transform_5(%arg0: i32) -> (i32, i32) {
    %c0_i32 = arith.constant 0 : i32
    %c0_i32_0 = arith.constant 0 : i32
    %c0_i32_1 = arith.constant 0 : i32
    return %c0_i32, %c0_i32_0 : i32, i32
  }
}

module attributes {stable_mosaic.version = 14 : i64} {
  func.func @_mlp_body(%arg0: memref<128x64xf32, #tpu.memory_space<vmem>>, %arg1: memref<128x1024xf32, #tpu.memory_space<vmem>>, %arg2: memref<128x8xi32, #tpu.memory_space<vmem>>, %arg3: memref<128x2xf32, #tpu.memory_space<vmem>>, %arg4: memref<256x576xf32, #tpu.memory_space<vmem>>, %arg5: memref<1x256xf32, #tpu.memory_space<vmem>>, %arg6: memref<1x256xf32, #tpu.memory_space<vmem>>, %arg7: memref<1x256xf32, #tpu.memory_space<vmem>>, %arg8: memref<256x256xf32, #tpu.memory_space<vmem>>, %arg9: memref<1x256xf32, #tpu.memory_space<vmem>>, %arg10: memref<1x256xf32, #tpu.memory_space<vmem>>, %arg11: memref<1x256xf32, #tpu.memory_space<vmem>>, %arg12: memref<128x256xf32, #tpu.memory_space<vmem>>, %arg13: memref<1x128xf32, #tpu.memory_space<vmem>>, %arg14: memref<64x130xf32, #tpu.memory_space<vmem>>, %arg15: memref<1x64xf32, #tpu.memory_space<vmem>>, %arg16: memref<1x64xf32, #tpu.memory_space<vmem>>, %arg17: memref<1xf32, #tpu.memory_space<smem>>, %arg18: memref<64x128xf32, #tpu.memory_space<vmem>>, %arg19: memref<1x64xf32, #tpu.memory_space<vmem>>, %arg20: memref<2x64xf32, #tpu.memory_space<vmem>>, %arg21: memref<1x2xf32, #tpu.memory_space<vmem>>, %arg22: memref<64x130xf32, #tpu.memory_space<vmem>>, %arg23: memref<1x64xf32, #tpu.memory_space<vmem>>, %arg24: memref<1x64xf32, #tpu.memory_space<vmem>>, %arg25: memref<1xf32, #tpu.memory_space<smem>>, %arg26: memref<128x1xf32, #tpu.memory_space<vmem>>, %arg27: memref<128x2xf32, #tpu.memory_space<vmem>>, %arg28: memref<128x1xf32, #tpu.memory_space<vmem>>, %arg29: memref<128x2xf32, #tpu.memory_space<vmem>>) attributes {dimension_semantics = [], scalar_prefetch = 0 : i64, scratch_operands = 0 : i64, tpu.core_type = #tpu.core_type<tc>} {
    %get3A = arith.constant 0 : index
    %get3A_0 = arith.constant 0 : index
    %get3A_1 = vector.load %arg1[%get3A, %get3A_0] : memref<128x1024xf32, #tpu.memory_space<vmem>>, vector<128x1024xf32>
    %get3A_2 = arith.constant 0 : index
    %get3A_3 = arith.constant 0 : index
    %get3A_4 = vector.load %arg2[%get3A_2, %get3A_3] : memref<128x8xi32, #tpu.memory_space<vmem>>, vector<128x8xi32>
    %slice3A = vector.extract_strided_slice %get3A_1 {offsets = [0, 0], sizes = [128, 128], strides = [1, 1]} : vector<128x1024xf32> to vector<128x128xf32>
    %slice3A_5 = vector.extract_strided_slice %get3A_4 {offsets = [0, 0], sizes = [128, 1], strides = [1, 1]} : vector<128x8xi32> to vector<128x1xi32>
    %eq3A = arith.constant 0 : i32
    %eq3A_6 = vector.broadcast %eq3A : i32 to vector<128x1xi32>
    %eq3A_7 = arith.cmpi eq, %slice3A_5, %eq3A_6 : vector<128x1xi32>
    %slice3A_8 = vector.extract_strided_slice %slice3A {offsets = [0, 0], sizes = [128, 64], strides = [1, 1]} : vector<128x128xf32> to vector<128x64xf32>
    %slice3A_9 = vector.extract_strided_slice %slice3A {offsets = [0, 64], sizes = [128, 64], strides = [1, 1]} : vector<128x128xf32> to vector<128x64xf32>
    %broadcast_in_dim3A = vector.shape_cast %eq3A_7 : vector<128x1xi1> to vector<128x1xi1>
    %broadcast_in_dim3A_10 = vector.broadcast %broadcast_in_dim3A : vector<128x1xi1> to vector<128x64xi1>
    %select_n3A = arith.select %broadcast_in_dim3A_10, %slice3A_8, %slice3A_9 : vector<128x64xi1>, vector<128x64xf32>
    %slice3A_11 = vector.extract_strided_slice %get3A_1 {offsets = [0, 128], sizes = [128, 128], strides = [1, 1]} : vector<128x1024xf32> to vector<128x128xf32>
    %slice3A_12 = vector.extract_strided_slice %get3A_4 {offsets = [0, 1], sizes = [128, 1], strides = [1, 1]} : vector<128x8xi32> to vector<128x1xi32>
    %eq3A_13 = arith.constant 0 : i32
    %eq3A_14 = vector.broadcast %eq3A_13 : i32 to vector<128x1xi32>
    %eq3A_15 = arith.cmpi eq, %slice3A_12, %eq3A_14 : vector<128x1xi32>
    %slice3A_16 = vector.extract_strided_slice %slice3A_11 {offsets = [0, 0], sizes = [128, 64], strides = [1, 1]} : vector<128x128xf32> to vector<128x64xf32>
    %slice3A_17 = vector.extract_strided_slice %slice3A_11 {offsets = [0, 64], sizes = [128, 64], strides = [1, 1]} : vector<128x128xf32> to vector<128x64xf32>
    %broadcast_in_dim3A_18 = vector.shape_cast %eq3A_15 : vector<128x1xi1> to vector<128x1xi1>
    %broadcast_in_dim3A_19 = vector.broadcast %broadcast_in_dim3A_18 : vector<128x1xi1> to vector<128x64xi1>
    %select_n3A_20 = arith.select %broadcast_in_dim3A_19, %slice3A_16, %slice3A_17 : vector<128x64xi1>, vector<128x64xf32>
    %slice3A_21 = vector.extract_strided_slice %get3A_1 {offsets = [0, 256], sizes = [128, 128], strides = [1, 1]} : vector<128x1024xf32> to vector<128x128xf32>
    %slice3A_22 = vector.extract_strided_slice %get3A_4 {offsets = [0, 2], sizes = [128, 1], strides = [1, 1]} : vector<128x8xi32> to vector<128x1xi32>
    %eq3A_23 = arith.constant 0 : i32
    %eq3A_24 = vector.broadcast %eq3A_23 : i32 to vector<128x1xi32>
    %eq3A_25 = arith.cmpi eq, %slice3A_22, %eq3A_24 : vector<128x1xi32>
    %slice3A_26 = vector.extract_strided_slice %slice3A_21 {offsets = [0, 0], sizes = [128, 64], strides = [1, 1]} : vector<128x128xf32> to vector<128x64xf32>
    %slice3A_27 = vector.extract_strided_slice %slice3A_21 {offsets = [0, 64], sizes = [128, 64], strides = [1, 1]} : vector<128x128xf32> to vector<128x64xf32>
    %broadcast_in_dim3A_28 = vector.shape_cast %eq3A_25 : vector<128x1xi1> to vector<128x1xi1>
    %broadcast_in_dim3A_29 = vector.broadcast %broadcast_in_dim3A_28 : vector<128x1xi1> to vector<128x64xi1>
    %select_n3A_30 = arith.select %broadcast_in_dim3A_29, %slice3A_26, %slice3A_27 : vector<128x64xi1>, vector<128x64xf32>
    %slice3A_31 = vector.extract_strided_slice %get3A_1 {offsets = [0, 384], sizes = [128, 128], strides = [1, 1]} : vector<128x1024xf32> to vector<128x128xf32>
    %slice3A_32 = vector.extract_strided_slice %get3A_4 {offsets = [0, 3], sizes = [128, 1], strides = [1, 1]} : vector<128x8xi32> to vector<128x1xi32>
    %eq3A_33 = arith.constant 0 : i32
    %eq3A_34 = vector.broadcast %eq3A_33 : i32 to vector<128x1xi32>
    %eq3A_35 = arith.cmpi eq, %slice3A_32, %eq3A_34 : vector<128x1xi32>
    %slice3A_36 = vector.extract_strided_slice %slice3A_31 {offsets = [0, 0], sizes = [128, 64], strides = [1, 1]} : vector<128x128xf32> to vector<128x64xf32>
    %slice3A_37 = vector.extract_strided_slice %slice3A_31 {offsets = [0, 64], sizes = [128, 64], strides = [1, 1]} : vector<128x128xf32> to vector<128x64xf32>
    %broadcast_in_dim3A_38 = vector.shape_cast %eq3A_35 : vector<128x1xi1> to vector<128x1xi1>
    %broadcast_in_dim3A_39 = vector.broadcast %broadcast_in_dim3A_38 : vector<128x1xi1> to vector<128x64xi1>
    %select_n3A_40 = arith.select %broadcast_in_dim3A_39, %slice3A_36, %slice3A_37 : vector<128x64xi1>, vector<128x64xf32>
    %slice3A_41 = vector.extract_strided_slice %get3A_1 {offsets = [0, 512], sizes = [128, 128], strides = [1, 1]} : vector<128x1024xf32> to vector<128x128xf32>
    %slice3A_42 = vector.extract_strided_slice %get3A_4 {offsets = [0, 4], sizes = [128, 1], strides = [1, 1]} : vector<128x8xi32> to vector<128x1xi32>
    %eq3A_43 = arith.constant 0 : i32
    %eq3A_44 = vector.broadcast %eq3A_43 : i32 to vector<128x1xi32>
    %eq3A_45 = arith.cmpi eq, %slice3A_42, %eq3A_44 : vector<128x1xi32>
    %slice3A_46 = vector.extract_strided_slice %slice3A_41 {offsets = [0, 0], sizes = [128, 64], strides = [1, 1]} : vector<128x128xf32> to vector<128x64xf32>
    %slice3A_47 = vector.extract_strided_slice %slice3A_41 {offsets = [0, 64], sizes = [128, 64], strides = [1, 1]} : vector<128x128xf32> to vector<128x64xf32>
    %broadcast_in_dim3A_48 = vector.shape_cast %eq3A_45 : vector<128x1xi1> to vector<128x1xi1>
    %broadcast_in_dim3A_49 = vector.broadcast %broadcast_in_dim3A_48 : vector<128x1xi1> to vector<128x64xi1>
    %select_n3A_50 = arith.select %broadcast_in_dim3A_49, %slice3A_46, %slice3A_47 : vector<128x64xi1>, vector<128x64xf32>
    %slice3A_51 = vector.extract_strided_slice %get3A_1 {offsets = [0, 640], sizes = [128, 128], strides = [1, 1]} : vector<128x1024xf32> to vector<128x128xf32>
    %slice3A_52 = vector.extract_strided_slice %get3A_4 {offsets = [0, 5], sizes = [128, 1], strides = [1, 1]} : vector<128x8xi32> to vector<128x1xi32>
    %eq3A_53 = arith.constant 0 : i32
    %eq3A_54 = vector.broadcast %eq3A_53 : i32 to vector<128x1xi32>
    %eq3A_55 = arith.cmpi eq, %slice3A_52, %eq3A_54 : vector<128x1xi32>
    %slice3A_56 = vector.extract_strided_slice %slice3A_51 {offsets = [0, 0], sizes = [128, 64], strides = [1, 1]} : vector<128x128xf32> to vector<128x64xf32>
    %slice3A_57 = vector.extract_strided_slice %slice3A_51 {offsets = [0, 64], sizes = [128, 64], strides = [1, 1]} : vector<128x128xf32> to vector<128x64xf32>
    %broadcast_in_dim3A_58 = vector.shape_cast %eq3A_55 : vector<128x1xi1> to vector<128x1xi1>
    %broadcast_in_dim3A_59 = vector.broadcast %broadcast_in_dim3A_58 : vector<128x1xi1> to vector<128x64xi1>
    %select_n3A_60 = arith.select %broadcast_in_dim3A_59, %slice3A_56, %slice3A_57 : vector<128x64xi1>, vector<128x64xf32>
    %slice3A_61 = vector.extract_strided_slice %get3A_1 {offsets = [0, 768], sizes = [128, 128], strides = [1, 1]} : vector<128x1024xf32> to vector<128x128xf32>
    %slice3A_62 = vector.extract_strided_slice %get3A_4 {offsets = [0, 6], sizes = [128, 1], strides = [1, 1]} : vector<128x8xi32> to vector<128x1xi32>
    %eq3A_63 = arith.constant 0 : i32
    %eq3A_64 = vector.broadcast %eq3A_63 : i32 to vector<128x1xi32>
    %eq3A_65 = arith.cmpi eq, %slice3A_62, %eq3A_64 : vector<128x1xi32>
    %slice3A_66 = vector.extract_strided_slice %slice3A_61 {offsets = [0, 0], sizes = [128, 64], strides = [1, 1]} : vector<128x128xf32> to vector<128x64xf32>
    %slice3A_67 = vector.extract_strided_slice %slice3A_61 {offsets = [0, 64], sizes = [128, 64], strides = [1, 1]} : vector<128x128xf32> to vector<128x64xf32>
    %broadcast_in_dim3A_68 = vector.shape_cast %eq3A_65 : vector<128x1xi1> to vector<128x1xi1>
    %broadcast_in_dim3A_69 = vector.broadcast %broadcast_in_dim3A_68 : vector<128x1xi1> to vector<128x64xi1>
    %select_n3A_70 = arith.select %broadcast_in_dim3A_69, %slice3A_66, %slice3A_67 : vector<128x64xi1>, vector<128x64xf32>
    %slice3A_71 = vector.extract_strided_slice %get3A_1 {offsets = [0, 896], sizes = [128, 128], strides = [1, 1]} : vector<128x1024xf32> to vector<128x128xf32>
    %slice3A_72 = vector.extract_strided_slice %get3A_4 {offsets = [0, 7], sizes = [128, 1], strides = [1, 1]} : vector<128x8xi32> to vector<128x1xi32>
    %eq3A_73 = arith.constant 0 : i32
    %eq3A_74 = vector.broadcast %eq3A_73 : i32 to vector<128x1xi32>
    %eq3A_75 = arith.cmpi eq, %slice3A_72, %eq3A_74 : vector<128x1xi32>
    %slice3A_76 = vector.extract_strided_slice %slice3A_71 {offsets = [0, 0], sizes = [128, 64], strides = [1, 1]} : vector<128x128xf32> to vector<128x64xf32>
    %slice3A_77 = vector.extract_strided_slice %slice3A_71 {offsets = [0, 64], sizes = [128, 64], strides = [1, 1]} : vector<128x128xf32> to vector<128x64xf32>
    %broadcast_in_dim3A_78 = vector.shape_cast %eq3A_75 : vector<128x1xi1> to vector<128x1xi1>
    %broadcast_in_dim3A_79 = vector.broadcast %broadcast_in_dim3A_78 : vector<128x1xi1> to vector<128x64xi1>
    %select_n3A_80 = arith.select %broadcast_in_dim3A_79, %slice3A_76, %slice3A_77 : vector<128x64xi1>, vector<128x64xf32>
    %get3A_81 = arith.constant 0 : index
    %get3A_82 = arith.constant 0 : index
    %get3A_83 = vector.load %arg0[%get3A_81, %get3A_82] : memref<128x64xf32, #tpu.memory_space<vmem>>, vector<128x64xf32>
    %concatenate3A = tpu.concatenate %get3A_83, %select_n3A, %select_n3A_20, %select_n3A_30, %select_n3A_40, %select_n3A_50, %select_n3A_60, %select_n3A_70, %select_n3A_80 in 1 : vector<128x64xf32>, vector<128x64xf32>, vector<128x64xf32>, vector<128x64xf32>, vector<128x64xf32>, vector<128x64xf32>, vector<128x64xf32>, vector<128x64xf32>, vector<128x64xf32> -> vector<128x576xf32>
    %get3A_84 = arith.constant 0 : index
    %get3A_85 = arith.constant 0 : index
    %get3A_86 = vector.load %arg4[%get3A_84, %get3A_85] : memref<256x576xf32, #tpu.memory_space<vmem>>, vector<256x576xf32>
    %dot_general3A = arith.constant dense<0.000000e+00> : vector<128x256xf32>
    %dot_general3A_87 = tpu.matmul %concatenate3A, %get3A_86, %dot_general3A {dimension_numbers = #tpu.dot_dimension_numbers<[1], [1], [0], [0], [0, 0, 1, 0], [], []>, transpose_lhs_hint = false} : vector<128x576xf32>, vector<256x576xf32>, vector<128x256xf32> -> vector<128x256xf32>
    %get3A_88 = arith.constant 0 : index
    %get3A_89 = arith.constant 0 : index
    %get3A_90 = vector.load %arg5[%get3A_88, %get3A_89] : memref<1x256xf32, #tpu.memory_space<vmem>>, vector<1x256xf32>
    %add3A = vector.broadcast %get3A_90 : vector<1x256xf32> to vector<128x256xf32>
    %add3A_91 = arith.addf %dot_general3A_87, %add3A : vector<128x256xf32>
    %max3A = arith.constant 0.000000e+00 : f32
    %max3A_92 = vector.broadcast %max3A : f32 to vector<128x256xf32>
    %max3A_93 = arith.maximumf %add3A_91, %max3A_92 : vector<128x256xf32>
    %get3A_94 = arith.constant 0 : index
    %get3A_95 = arith.constant 0 : index
    %get3A_96 = vector.load %arg6[%get3A_94, %get3A_95] : memref<1x256xf32, #tpu.memory_space<vmem>>, vector<1x256xf32>
    %get3A_97 = arith.constant 0 : index
    %get3A_98 = arith.constant 0 : index
    %get3A_99 = vector.load %arg7[%get3A_97, %get3A_98] : memref<1x256xf32, #tpu.memory_space<vmem>>, vector<1x256xf32>
    %reduce_sum3A = arith.constant dense<0.000000e+00> : vector<128xf32>
    %reduce_sum3A_100 = vector.multi_reduction <add>, %max3A_93, %reduce_sum3A [1] : vector<128x256xf32> to vector<128xf32>
    %broadcast_in_dim3A_101 = vector.shape_cast %reduce_sum3A_100 : vector<128xf32> to vector<128x1xf32>
    %div3A = arith.constant 2.560000e+02 : f32
    %div3A_102 = vector.broadcast %div3A : f32 to vector<128x1xf32>
    %div3A_103 = arith.divf %broadcast_in_dim3A_101, %div3A_102 : vector<128x1xf32>
    %sub3A = vector.broadcast %div3A_103 : vector<128x1xf32> to vector<128x256xf32>
    %sub3A_104 = arith.subf %max3A_93, %sub3A : vector<128x256xf32>
    %integer_pow3A = arith.mulf %sub3A_104, %sub3A_104 : vector<128x256xf32>
    %reduce_sum3A_105 = arith.constant dense<0.000000e+00> : vector<128xf32>
    %reduce_sum3A_106 = vector.multi_reduction <add>, %integer_pow3A, %reduce_sum3A_105 [1] : vector<128x256xf32> to vector<128xf32>
    %broadcast_in_dim3A_107 = vector.shape_cast %reduce_sum3A_106 : vector<128xf32> to vector<128x1xf32>
    %div3A_108 = arith.constant 2.560000e+02 : f32
    %div3A_109 = vector.broadcast %div3A_108 : f32 to vector<128x1xf32>
    %div3A_110 = arith.divf %broadcast_in_dim3A_107, %div3A_109 : vector<128x1xf32>
    %sub3A_111 = vector.broadcast %div3A_103 : vector<128x1xf32> to vector<128x256xf32>
    %sub3A_112 = arith.subf %max3A_93, %sub3A_111 : vector<128x256xf32>
    %add3A_113 = arith.constant 9.99999974E-6 : f32
    %add3A_114 = vector.broadcast %add3A_113 : f32 to vector<128x1xf32>
    %add3A_115 = arith.addf %div3A_110, %add3A_114 : vector<128x1xf32>
    %sqrt3A = math.sqrt %add3A_115 : vector<128x1xf32>
    %div3A_116 = vector.broadcast %sqrt3A : vector<128x1xf32> to vector<128x256xf32>
    %div3A_117 = arith.divf %sub3A_112, %div3A_116 : vector<128x256xf32>
    %mul3A = vector.broadcast %get3A_96 : vector<1x256xf32> to vector<128x256xf32>
    %mul3A_118 = arith.mulf %div3A_117, %mul3A : vector<128x256xf32>
    %add3A_119 = vector.broadcast %get3A_99 : vector<1x256xf32> to vector<128x256xf32>
    %add3A_120 = arith.addf %mul3A_118, %add3A_119 : vector<128x256xf32>
    %get3A_121 = arith.constant 0 : index
    %get3A_122 = arith.constant 0 : index
    %get3A_123 = vector.load %arg8[%get3A_121, %get3A_122] : memref<256x256xf32, #tpu.memory_space<vmem>>, vector<256x256xf32>
    %dot_general3A_124 = arith.constant dense<0.000000e+00> : vector<128x256xf32>
    %dot_general3A_125 = tpu.matmul %add3A_120, %get3A_123, %dot_general3A_124 {dimension_numbers = #tpu.dot_dimension_numbers<[1], [1], [0], [0], [0, 0, 1, 0], [], []>, transpose_lhs_hint = false} : vector<128x256xf32>, vector<256x256xf32>, vector<128x256xf32> -> vector<128x256xf32>
    %get3A_126 = arith.constant 0 : index
    %get3A_127 = arith.constant 0 : index
    %get3A_128 = vector.load %arg9[%get3A_126, %get3A_127] : memref<1x256xf32, #tpu.memory_space<vmem>>, vector<1x256xf32>
    %add3A_129 = vector.broadcast %get3A_128 : vector<1x256xf32> to vector<128x256xf32>
    %add3A_130 = arith.addf %dot_general3A_125, %add3A_129 : vector<128x256xf32>
    %max3A_131 = arith.constant 0.000000e+00 : f32
    %max3A_132 = vector.broadcast %max3A_131 : f32 to vector<128x256xf32>
    %max3A_133 = arith.maximumf %add3A_130, %max3A_132 : vector<128x256xf32>
    %get3A_134 = arith.constant 0 : index
    %get3A_135 = arith.constant 0 : index
    %get3A_136 = vector.load %arg10[%get3A_134, %get3A_135] : memref<1x256xf32, #tpu.memory_space<vmem>>, vector<1x256xf32>
    %get3A_137 = arith.constant 0 : index
    %get3A_138 = arith.constant 0 : index
    %get3A_139 = vector.load %arg11[%get3A_137, %get3A_138] : memref<1x256xf32, #tpu.memory_space<vmem>>, vector<1x256xf32>
    %reduce_sum3A_140 = arith.constant dense<0.000000e+00> : vector<128xf32>
    %reduce_sum3A_141 = vector.multi_reduction <add>, %max3A_133, %reduce_sum3A_140 [1] : vector<128x256xf32> to vector<128xf32>
    %broadcast_in_dim3A_142 = vector.shape_cast %reduce_sum3A_141 : vector<128xf32> to vector<128x1xf32>
    %div3A_143 = arith.constant 2.560000e+02 : f32
    %div3A_144 = vector.broadcast %div3A_143 : f32 to vector<128x1xf32>
    %div3A_145 = arith.divf %broadcast_in_dim3A_142, %div3A_144 : vector<128x1xf32>
    %sub3A_146 = vector.broadcast %div3A_145 : vector<128x1xf32> to vector<128x256xf32>
    %sub3A_147 = arith.subf %max3A_133, %sub3A_146 : vector<128x256xf32>
    %integer_pow3A_148 = arith.mulf %sub3A_147, %sub3A_147 : vector<128x256xf32>
    %reduce_sum3A_149 = arith.constant dense<0.000000e+00> : vector<128xf32>
    %reduce_sum3A_150 = vector.multi_reduction <add>, %integer_pow3A_148, %reduce_sum3A_149 [1] : vector<128x256xf32> to vector<128xf32>
    %broadcast_in_dim3A_151 = vector.shape_cast %reduce_sum3A_150 : vector<128xf32> to vector<128x1xf32>
    %div3A_152 = arith.constant 2.560000e+02 : f32
    %div3A_153 = vector.broadcast %div3A_152 : f32 to vector<128x1xf32>
    %div3A_154 = arith.divf %broadcast_in_dim3A_151, %div3A_153 : vector<128x1xf32>
    %sub3A_155 = vector.broadcast %div3A_145 : vector<128x1xf32> to vector<128x256xf32>
    %sub3A_156 = arith.subf %max3A_133, %sub3A_155 : vector<128x256xf32>
    %add3A_157 = arith.constant 9.99999974E-6 : f32
    %add3A_158 = vector.broadcast %add3A_157 : f32 to vector<128x1xf32>
    %add3A_159 = arith.addf %div3A_154, %add3A_158 : vector<128x1xf32>
    %sqrt3A_160 = math.sqrt %add3A_159 : vector<128x1xf32>
    %div3A_161 = vector.broadcast %sqrt3A_160 : vector<128x1xf32> to vector<128x256xf32>
    %div3A_162 = arith.divf %sub3A_156, %div3A_161 : vector<128x256xf32>
    %mul3A_163 = vector.broadcast %get3A_136 : vector<1x256xf32> to vector<128x256xf32>
    %mul3A_164 = arith.mulf %div3A_162, %mul3A_163 : vector<128x256xf32>
    %add3A_165 = vector.broadcast %get3A_139 : vector<1x256xf32> to vector<128x256xf32>
    %add3A_166 = arith.addf %mul3A_164, %add3A_165 : vector<128x256xf32>
    %get3A_167 = arith.constant 0 : index
    %get3A_168 = arith.constant 0 : index
    %get3A_169 = vector.load %arg12[%get3A_167, %get3A_168] : memref<128x256xf32, #tpu.memory_space<vmem>>, vector<128x256xf32>
    %dot_general3A_170 = arith.constant dense<0.000000e+00> : vector<128x128xf32>
    %dot_general3A_171 = tpu.matmul %add3A_166, %get3A_169, %dot_general3A_170 {dimension_numbers = #tpu.dot_dimension_numbers<[1], [1], [0], [0], [0, 0, 1, 0], [], []>, transpose_lhs_hint = false} : vector<128x256xf32>, vector<128x256xf32>, vector<128x128xf32> -> vector<128x128xf32>
    %get3A_172 = arith.constant 0 : index
    %get3A_173 = arith.constant 0 : index
    %get3A_174 = vector.load %arg13[%get3A_172, %get3A_173] : memref<1x128xf32, #tpu.memory_space<vmem>>, vector<1x128xf32>
    %add3A_175 = vector.broadcast %get3A_174 : vector<1x128xf32> to vector<128x128xf32>
    %add3A_176 = arith.addf %dot_general3A_171, %add3A_175 : vector<128x128xf32>
    %get3A_177 = arith.constant 0 : index
    %get3A_178 = arith.constant 0 : index
    %get3A_179 = vector.load %arg18[%get3A_177, %get3A_178] : memref<64x128xf32, #tpu.memory_space<vmem>>, vector<64x128xf32>
    %dot_general3A_180 = arith.constant dense<0.000000e+00> : vector<128x64xf32>
    %dot_general3A_181 = tpu.matmul %add3A_176, %get3A_179, %dot_general3A_180 {dimension_numbers = #tpu.dot_dimension_numbers<[1], [1], [0], [0], [0, 0, 1, 0], [], []>, transpose_lhs_hint = false} : vector<128x128xf32>, vector<64x128xf32>, vector<128x64xf32> -> vector<128x64xf32>
    %get3A_182 = arith.constant 0 : index
    %get3A_183 = arith.constant 0 : index
    %get3A_184 = vector.load %arg19[%get3A_182, %get3A_183] : memref<1x64xf32, #tpu.memory_space<vmem>>, vector<1x64xf32>
    %add3A_185 = vector.broadcast %get3A_184 : vector<1x64xf32> to vector<128x64xf32>
    %add3A_186 = arith.addf %dot_general3A_181, %add3A_185 : vector<128x64xf32>
    %max3A_187 = arith.constant 0.000000e+00 : f32
    %max3A_188 = vector.broadcast %max3A_187 : f32 to vector<128x64xf32>
    %max3A_189 = arith.maximumf %add3A_186, %max3A_188 : vector<128x64xf32>
    %get3A_190 = arith.constant 0 : index
    %get3A_191 = arith.constant 0 : index
    %get3A_192 = vector.load %arg20[%get3A_190, %get3A_191] : memref<2x64xf32, #tpu.memory_space<vmem>>, vector<2x64xf32>
    %dot_general3A_193 = arith.constant dense<0.000000e+00> : vector<128x2xf32>
    %dot_general3A_194 = tpu.matmul %max3A_189, %get3A_192, %dot_general3A_193 {dimension_numbers = #tpu.dot_dimension_numbers<[1], [1], [0], [0], [0, 0, 1, 0], [], []>, transpose_lhs_hint = false} : vector<128x64xf32>, vector<2x64xf32>, vector<128x2xf32> -> vector<128x2xf32>
    %get3A_195 = arith.constant 0 : index
    %get3A_196 = arith.constant 0 : index
    %get3A_197 = vector.load %arg21[%get3A_195, %get3A_196] : memref<1x2xf32, #tpu.memory_space<vmem>>, vector<1x2xf32>
    %add3A_198 = vector.broadcast %get3A_197 : vector<1x2xf32> to vector<128x2xf32>
    %add3A_199 = arith.addf %dot_general3A_194, %add3A_198 : vector<128x2xf32>
    %reduce_max3A = arith.constant dense<0xFF800000> : vector<128xf32>
    %reduce_max3A_200 = vector.multi_reduction <maximumf>, %add3A_199, %reduce_max3A [1] : vector<128x2xf32> to vector<128xf32>
    %broadcast_in_dim3A_201 = vector.shape_cast %reduce_max3A_200 : vector<128xf32> to vector<128x1xf32>
    %sub3A_202 = vector.broadcast %broadcast_in_dim3A_201 : vector<128x1xf32> to vector<128x2xf32>
    %sub3A_203 = arith.subf %add3A_199, %sub3A_202 : vector<128x2xf32>
    %exp3A = math.exp %sub3A_203 : vector<128x2xf32>
    %reduce_sum3A_204 = arith.constant dense<0.000000e+00> : vector<128xf32>
    %reduce_sum3A_205 = vector.multi_reduction <add>, %exp3A, %reduce_sum3A_204 [1] : vector<128x2xf32> to vector<128xf32>
    %broadcast_in_dim3A_206 = vector.shape_cast %reduce_sum3A_205 : vector<128xf32> to vector<128x1xf32>
    %div3A_207 = vector.broadcast %broadcast_in_dim3A_206 : vector<128x1xf32> to vector<128x2xf32>
    %div3A_208 = arith.divf %exp3A, %div3A_207 : vector<128x2xf32>
    %swap3A = arith.constant 0 : index
    %swap3A_209 = arith.constant 0 : index
    %swap3A_210 = vector.load %arg27[%swap3A, %swap3A_209] : memref<128x2xf32, #tpu.memory_space<vmem>>, vector<128x2xf32>
    tpu.vector_store %arg27[%swap3A, %swap3A_209], %div3A_208 {strides = array<i32>} : memref<128x2xf32, #tpu.memory_space<vmem>>, vector<128x2xf32>,
    %get3A_211 = arith.constant 0 : index
    %get3A_212 = memref.load %arg17[%get3A_211] : memref<1xf32, #tpu.memory_space<smem>>
    %get3A_213 = arith.constant 0 : index
    %get3A_214 = memref.load %arg25[%get3A_213] : memref<1xf32, #tpu.memory_space<smem>>
    %get3A_215 = arith.constant 0 : index
    %get3A_216 = arith.constant 0 : index
    %get3A_217 = vector.load %arg3[%get3A_215, %get3A_216] : memref<128x2xf32, #tpu.memory_space<vmem>>, vector<128x2xf32>
    %get3A_218 = arith.constant 0 : index
    %get3A_219 = arith.constant 0 : index
    %get3A_220 = vector.load %arg14[%get3A_218, %get3A_219] : memref<64x130xf32, #tpu.memory_space<vmem>>, vector<64x130xf32>
    %get3A_221 = arith.constant 0 : index
    %get3A_222 = arith.constant 0 : index
    %get3A_223 = vector.load %arg15[%get3A_221, %get3A_222] : memref<1x64xf32, #tpu.memory_space<vmem>>, vector<1x64xf32>
    %get3A_224 = arith.constant 0 : index
    %get3A_225 = arith.constant 0 : index
    %get3A_226 = vector.load %arg16[%get3A_224, %get3A_225] : memref<1x64xf32, #tpu.memory_space<vmem>>, vector<1x64xf32>
    %concatenate3A_227 = tpu.concatenate %add3A_176, %get3A_217 in 1 : vector<128x128xf32>, vector<128x2xf32> -> vector<128x130xf32>
    %dot_general3A_228 = arith.constant dense<0.000000e+00> : vector<128x64xf32>
    %dot_general3A_229 = tpu.matmul %concatenate3A_227, %get3A_220, %dot_general3A_228 {dimension_numbers = #tpu.dot_dimension_numbers<[1], [1], [0], [0], [0, 0, 1, 0], [], []>, transpose_lhs_hint = false} : vector<128x130xf32>, vector<64x130xf32>, vector<128x64xf32> -> vector<128x64xf32>
    %add3A_230 = vector.broadcast %get3A_223 : vector<1x64xf32> to vector<128x64xf32>
    %add3A_231 = arith.addf %dot_general3A_229, %add3A_230 : vector<128x64xf32>
    %max3A_232 = arith.constant 0.000000e+00 : f32
    %max3A_233 = vector.broadcast %max3A_232 : f32 to vector<128x64xf32>
    %max3A_234 = arith.maximumf %add3A_231, %max3A_233 : vector<128x64xf32>
    %mul3A_235 = vector.broadcast %get3A_226 : vector<1x64xf32> to vector<128x64xf32>
    %mul3A_236 = arith.mulf %max3A_234, %mul3A_235 : vector<128x64xf32>
    %reduce_sum3A_237 = arith.constant dense<0.000000e+00> : vector<128xf32>
    %reduce_sum3A_238 = vector.multi_reduction <add>, %mul3A_236, %reduce_sum3A_237 [1] : vector<128x64xf32> to vector<128xf32>
    %broadcast_in_dim3A_239 = vector.shape_cast %reduce_sum3A_238 : vector<128xf32> to vector<128x1xf32>
    %add3A_240 = vector.broadcast %get3A_212 : f32 to vector<128x1xf32>
    %add3A_241 = arith.addf %broadcast_in_dim3A_239, %add3A_240 : vector<128x1xf32>
    %swap3A_242 = arith.constant 0 : index
    %swap3A_243 = arith.constant 0 : index
    %swap3A_244 = vector.load %arg26[%swap3A_242, %swap3A_243] : memref<128x1xf32, #tpu.memory_space<vmem>>, vector<128x1xf32>
    tpu.vector_store %arg26[%swap3A_242, %swap3A_243], %add3A_241 {strides = array<i32>} : memref<128x1xf32, #tpu.memory_space<vmem>>, vector<128x1xf32>,
    %get3A_245 = arith.constant 0 : index
    %get3A_246 = arith.constant 0 : index
    %get3A_247 = vector.load %arg3[%get3A_245, %get3A_246] : memref<128x2xf32, #tpu.memory_space<vmem>>, vector<128x2xf32>
    %get3A_248 = arith.constant 0 : index
    %get3A_249 = arith.constant 0 : index
    %get3A_250 = vector.load %arg22[%get3A_248, %get3A_249] : memref<64x130xf32, #tpu.memory_space<vmem>>, vector<64x130xf32>
    %get3A_251 = arith.constant 0 : index
    %get3A_252 = arith.constant 0 : index
    %get3A_253 = vector.load %arg23[%get3A_251, %get3A_252] : memref<1x64xf32, #tpu.memory_space<vmem>>, vector<1x64xf32>
    %get3A_254 = arith.constant 0 : index
    %get3A_255 = arith.constant 0 : index
    %get3A_256 = vector.load %arg24[%get3A_254, %get3A_255] : memref<1x64xf32, #tpu.memory_space<vmem>>, vector<1x64xf32>
    %concatenate3A_257 = tpu.concatenate %add3A_176, %get3A_247 in 1 : vector<128x128xf32>, vector<128x2xf32> -> vector<128x130xf32>
    %dot_general3A_258 = arith.constant dense<0.000000e+00> : vector<128x64xf32>
    %dot_general3A_259 = tpu.matmul %concatenate3A_257, %get3A_250, %dot_general3A_258 {dimension_numbers = #tpu.dot_dimension_numbers<[1], [1], [0], [0], [0, 0, 1, 0], [], []>, transpose_lhs_hint = false} : vector<128x130xf32>, vector<64x130xf32>, vector<128x64xf32> -> vector<128x64xf32>
    %add3A_260 = vector.broadcast %get3A_253 : vector<1x64xf32> to vector<128x64xf32>
    %add3A_261 = arith.addf %dot_general3A_259, %add3A_260 : vector<128x64xf32>
    %max3A_262 = arith.constant 0.000000e+00 : f32
    %max3A_263 = vector.broadcast %max3A_262 : f32 to vector<128x64xf32>
    %max3A_264 = arith.maximumf %add3A_261, %max3A_263 : vector<128x64xf32>
    %mul3A_265 = vector.broadcast %get3A_256 : vector<1x64xf32> to vector<128x64xf32>
    %mul3A_266 = arith.mulf %max3A_264, %mul3A_265 : vector<128x64xf32>
    %reduce_sum3A_267 = arith.constant dense<0.000000e+00> : vector<128xf32>
    %reduce_sum3A_268 = vector.multi_reduction <add>, %mul3A_266, %reduce_sum3A_267 [1] : vector<128x64xf32> to vector<128xf32>
    %broadcast_in_dim3A_269 = vector.shape_cast %reduce_sum3A_268 : vector<128xf32> to vector<128x1xf32>
    %add3A_270 = vector.broadcast %get3A_214 : f32 to vector<128x1xf32>
    %add3A_271 = arith.addf %broadcast_in_dim3A_269, %add3A_270 : vector<128x1xf32>
    %swap3A_272 = arith.constant 0 : index
    %swap3A_273 = arith.constant 0 : index
    %swap3A_274 = vector.load %arg28[%swap3A_272, %swap3A_273] : memref<128x1xf32, #tpu.memory_space<vmem>>, vector<128x1xf32>
    tpu.vector_store %arg28[%swap3A_272, %swap3A_273], %add3A_271 {strides = array<i32>} : memref<128x1xf32, #tpu.memory_space<vmem>>, vector<128x1xf32>,
    %broadcast_in_dim3A_275 = arith.constant 1.000000e+00 : f32
    %broadcast_in_dim3A_276 = vector.broadcast %broadcast_in_dim3A_275 : f32 to vector<128x1xf32>
    %broadcast_in_dim3A_277 = arith.constant 0.000000e+00 : f32
    %broadcast_in_dim3A_278 = vector.broadcast %broadcast_in_dim3A_277 : f32 to vector<128x1xf32>
    %concatenate3A_279 = tpu.concatenate %broadcast_in_dim3A_276, %broadcast_in_dim3A_278 in 1 : vector<128x1xf32>, vector<128x1xf32> -> vector<128x2xf32>
    %get3A_280 = arith.constant 0 : index
    %get3A_281 = arith.constant 0 : index
    %get3A_282 = vector.load %arg14[%get3A_280, %get3A_281] : memref<64x130xf32, #tpu.memory_space<vmem>>, vector<64x130xf32>
    %get3A_283 = arith.constant 0 : index
    %get3A_284 = arith.constant 0 : index
    %get3A_285 = vector.load %arg15[%get3A_283, %get3A_284] : memref<1x64xf32, #tpu.memory_space<vmem>>, vector<1x64xf32>
    %get3A_286 = arith.constant 0 : index
    %get3A_287 = arith.constant 0 : index
    %get3A_288 = vector.load %arg16[%get3A_286, %get3A_287] : memref<1x64xf32, #tpu.memory_space<vmem>>, vector<1x64xf32>
    %concatenate3A_289 = tpu.concatenate %add3A_176, %concatenate3A_279 in 1 : vector<128x128xf32>, vector<128x2xf32> -> vector<128x130xf32>
    %dot_general3A_290 = arith.constant dense<0.000000e+00> : vector<128x64xf32>
    %dot_general3A_291 = tpu.matmul %concatenate3A_289, %get3A_282, %dot_general3A_290 {dimension_numbers = #tpu.dot_dimension_numbers<[1], [1], [0], [0], [0, 0, 1, 0], [], []>, transpose_lhs_hint = false} : vector<128x130xf32>, vector<64x130xf32>, vector<128x64xf32> -> vector<128x64xf32>
    %add3A_292 = vector.broadcast %get3A_285 : vector<1x64xf32> to vector<128x64xf32>
    %add3A_293 = arith.addf %dot_general3A_291, %add3A_292 : vector<128x64xf32>
    %max3A_294 = arith.constant 0.000000e+00 : f32
    %max3A_295 = vector.broadcast %max3A_294 : f32 to vector<128x64xf32>
    %max3A_296 = arith.maximumf %add3A_293, %max3A_295 : vector<128x64xf32>
    %mul3A_297 = vector.broadcast %get3A_288 : vector<1x64xf32> to vector<128x64xf32>
    %mul3A_298 = arith.mulf %max3A_296, %mul3A_297 : vector<128x64xf32>
    %reduce_sum3A_299 = arith.constant dense<0.000000e+00> : vector<128xf32>
    %reduce_sum3A_300 = vector.multi_reduction <add>, %mul3A_298, %reduce_sum3A_299 [1] : vector<128x64xf32> to vector<128xf32>
    %broadcast_in_dim3A_301 = vector.shape_cast %reduce_sum3A_300 : vector<128xf32> to vector<128x1xf32>
    %add3A_302 = vector.broadcast %get3A_212 : f32 to vector<128x1xf32>
    %add3A_303 = arith.addf %broadcast_in_dim3A_301, %add3A_302 : vector<128x1xf32>
    %concatenate3A_304 = tpu.concatenate %broadcast_in_dim3A_278, %broadcast_in_dim3A_276 in 1 : vector<128x1xf32>, vector<128x1xf32> -> vector<128x2xf32>
    %get3A_305 = arith.constant 0 : index
    %get3A_306 = arith.constant 0 : index
    %get3A_307 = vector.load %arg14[%get3A_305, %get3A_306] : memref<64x130xf32, #tpu.memory_space<vmem>>, vector<64x130xf32>
    %get3A_308 = arith.constant 0 : index
    %get3A_309 = arith.constant 0 : index
    %get3A_310 = vector.load %arg15[%get3A_308, %get3A_309] : memref<1x64xf32, #tpu.memory_space<vmem>>, vector<1x64xf32>
    %get3A_311 = arith.constant 0 : index
    %get3A_312 = arith.constant 0 : index
    %get3A_313 = vector.load %arg16[%get3A_311, %get3A_312] : memref<1x64xf32, #tpu.memory_space<vmem>>, vector<1x64xf32>
    %concatenate3A_314 = tpu.concatenate %add3A_176, %concatenate3A_304 in 1 : vector<128x128xf32>, vector<128x2xf32> -> vector<128x130xf32>
    %dot_general3A_315 = arith.constant dense<0.000000e+00> : vector<128x64xf32>
    %dot_general3A_316 = tpu.matmul %concatenate3A_314, %get3A_307, %dot_general3A_315 {dimension_numbers = #tpu.dot_dimension_numbers<[1], [1], [0], [0], [0, 0, 1, 0], [], []>, transpose_lhs_hint = false} : vector<128x130xf32>, vector<64x130xf32>, vector<128x64xf32> -> vector<128x64xf32>
    %add3A_317 = vector.broadcast %get3A_310 : vector<1x64xf32> to vector<128x64xf32>
    %add3A_318 = arith.addf %dot_general3A_316, %add3A_317 : vector<128x64xf32>
    %max3A_319 = arith.constant 0.000000e+00 : f32
    %max3A_320 = vector.broadcast %max3A_319 : f32 to vector<128x64xf32>
    %max3A_321 = arith.maximumf %add3A_318, %max3A_320 : vector<128x64xf32>
    %mul3A_322 = vector.broadcast %get3A_313 : vector<1x64xf32> to vector<128x64xf32>
    %mul3A_323 = arith.mulf %max3A_321, %mul3A_322 : vector<128x64xf32>
    %reduce_sum3A_324 = arith.constant dense<0.000000e+00> : vector<128xf32>
    %reduce_sum3A_325 = vector.multi_reduction <add>, %mul3A_323, %reduce_sum3A_324 [1] : vector<128x64xf32> to vector<128xf32>
    %broadcast_in_dim3A_326 = vector.shape_cast %reduce_sum3A_325 : vector<128xf32> to vector<128x1xf32>
    %add3A_327 = vector.broadcast %get3A_212 : f32 to vector<128x1xf32>
    %add3A_328 = arith.addf %broadcast_in_dim3A_326, %add3A_327 : vector<128x1xf32>
    %concatenate3A_329 = tpu.concatenate %add3A_303, %add3A_328 in 1 : vector<128x1xf32>, vector<128x1xf32> -> vector<128x2xf32>
    %swap3A_330 = arith.constant 0 : index
    %swap3A_331 = arith.constant 0 : index
    %swap3A_332 = vector.load %arg29[%swap3A_330, %swap3A_331] : memref<128x2xf32, #tpu.memory_space<vmem>>, vector<128x2xf32>
    tpu.vector_store %arg29[%swap3A_330, %swap3A_331], %concatenate3A_329 {strides = array<i32>} : memref<128x2xf32, #tpu.memory_space<vmem>>, vector<128x2xf32>,
    return
  }
}

</mosaic_0001>

<sc_bundles>
// kernel: kernel.5.cloned.1.call-start
scs
__scs_entry_jumppad:
0x0: {  	(pc) =	sbr.rel $0x88, $3  }
0x1: {  	(tag) =	ssettag $0x0;
	lr =	simm.s32 $0x1  }
0x2: {  	[smem:$0x3F85] =	sst lr;
	_ =	strace $0xD0000000  }
0x3: {  	_ = 	snop  }
0x4: {  	_ = 	snop  }
0x5: {  	_ = 	snop  }
0x6: {  	_ = 	snop  }
0x7: {  	_ = 	snop  }
__scs_overlays_trampoline_lowered:
0x8: {  	[smem:$0x3F94] =	sst s0  }
0x9: {  	[smem:$0x3F95] =	sst s1  }
0xa: {  	[smem:$0x3F96] =	sst s2  }
0xb: {  	[smem:$0x3F97] =	sst s3  }
0xc: {  	[smem:$0x3F98] =	sst s4  }
0xd: {  	[smem:$0x3F99] =	sst s5  }
0xe: {  	[smem:$0x3F9A] =	sst s6  }
0xf: {  	[smem:$0x3F9B] =	sst s7  }
0x10: {  	[smem:$0x3F9C] =	sst s8  }
0x11: {  	[smem:$0x3F9D] =	sst s9;
	s0 =	simm.s32 @!p0 $0x0  }
0x12: {  	s1 =	sld [smem:$0x3F83];
	s0 =	simm.s32 @p0 $0x1  }
0x13: {  	[smem:$0x3F9E] =	sst s0;
	s0 =	simm.s32 @!p1 $0x0  }
0x14: {  	s2 =	sld [smem:$0x3F82];
	s0 =	simm.s32 @p1 $0x1  }
0x15: {  	[smem:$0x3F9F] =	sst s0;
	s0 =	simm.s32 @!p2 $0x0  }
0x16: {  	s3 =	sld [smem:$0x3FDB];
	s0 =	simm.s32 @p2 $0x1  }
0x17: {  	s4 =	simm.s32 $0x1BF5;
	[smem:$0x3FA1] =	sst s0  }
0x18: {  	s0 =	sld [smem:$0x3F84];
	_ =	swait.ge [sflag:s4], $0x0  }
0x19: {  	s7 =	sld [smem:$0x3F85]  }
0x1a: {  	s8 =	sadd.s32 $0xFFFFE003, lr  }
0x1b: {  	s9 =	sadd.s32 $0xFFFFFEF7, lr;
	s5 =	simm.s32 $0xFFFFFFFF;
	p2 =	slt.u32 s8, $0xFFFFF086  }
0x1c: {  	p1 =	slt.u32 s9, $0xF7A;
	s5 =	simm.s32 @!p2 $0x0  }
0x1d: {  	s5 =	simm.s32 @p1 $0x1;
	p0 =	seq.s32 s7, s2  }
0x1e: {  	s7 =	smul.u32 @!p0 $0xF7A, s2;
	p2 =	seq.s32 @!p0 s5, $0x0  }
0x1f: {  	s9 =	smul.u32 $0xF7A, s1;
	s8 =	simm.s32 @!p0 $0x1BF5;
	p2 =	por !p2, p0  }
0x20: {  	[sflag:s8] =	ssyncset.s32 @!p0 $0xFFFFF086;
	s6 =	sadd.s32 @!p0 s3, s7;
	s7 =	simm.s32 @!p0 $0x108  }
0x21: {  	s3 =	sadd.s32 s3, s9;
	s6 =	sadd.s32 @!p0 $0x88, s6;
	s7 =	simm.s32 @p2 $0x1082  }
0x22: {  	[simem:s7], [sflag:s8] =	dma.local @!p0 [hbm:s6], $0xF7A  }
0x23: {  	s9 =	sor.u32 $0xD0000000, s2;
	s6 =	simm.s32 $0x108;
	_ =	swait.ge @!p0 [sflag:s8], $0x0  }
0x24: {  	s3 =	sadd.s32 $0x88, s3;
	s6 =	simm.s32 @!p1 $0x1082;
	[sflag:s4] =	ssyncset.s32 $0xFFFFF086  }
0x25: {  	[simem:s6], [sflag:s4] =	dma.local [hbm:s3], $0xF7A  }
0x26: {  	[smem:$0x3F85] =	sst s1;
	(tag) =	ssettag s2;
	_ =	strace s9  }
0x27: {  	s1 =	sld [smem:$0x3F95]  }
0x28: {  	s2 =	sld [smem:$0x3F96]  }
0x29: {  	s4 =	sld [smem:$0x3F98]  }
0x2a: {  	p0 =	seq.s32 s5, $0x0;
	s5 =	sld [smem:$0x3F99]  }
0x2b: {  	s6 =	sld [smem:$0x3F9A]  }
0x2c: {  	s7 =	sld [smem:$0x3F9B]  }
0x2d: {  	s3 =	simm.s32 $0x108;
	s8 =	sld [smem:$0x3F9C]  }
0x2e: {  	s3 =	simm.s32 @!p0 $0x1082;
	s9 =	sld [smem:$0x3F9D]  }
0x2f: {  	lr =	sadd.s32 s0, s3;
	s0 =	sld [smem:$0x3F94]  }
0x30: {  	s3 =	sld [smem:$0x3F97]  }
0x31: {  	[smem:$0x3FA0] =	sst s10  }
0x32: {  	s10 =	sld [smem:$0x3F9E];
	_ =	sdelay $0x3  }
0x33: {  	p0 =	seq.s32 s10, $0x1;
	s10 =	sld [smem:$0x3FA0];
	_ =	sdelay $0x3  }
0x34: {  	[smem:$0x3FA0] =	sst s10  }
0x35: {  	s10 =	sld [smem:$0x3F9F];
	_ =	sdelay $0x3  }
0x36: {  	p1 =	seq.s32 s10, $0x1;
	s10 =	sld [smem:$0x3FA0];
	_ =	sdelay $0x3  }
0x37: {  	[smem:$0x3FA0] =	sst s10  }
0x38: {  	s10 =	sld [smem:$0x3FA1]  }
0x39: {  	_ = 	snop;
	(pc) =	sbr.ind lr, $3  }
0x3a: {  	_ = 	snop  }
0x3b: {  	_ = 	snop  }
0x3c: {  	p2 =	seq.s32 s10, $0x1;
	s10 =	sld [smem:$0x3FA0]  }
0x3d: {  	_ =	shalt  }
0x3e: {  	_ =	shalt  }
0x3f: {  	_ =	shalt  }
0x40: {  	_ =	shalt  }
0x41: {  	_ =	shalt  }
0x42: {  	_ =	shalt  }
0x43: {  	_ =	shalt  }
0x44: {  	_ =	shalt  }
0x45: {  	_ =	shalt  }
0x46: {  	_ =	shalt  }
0x47: {  	_ =	shalt  }
0x48: {  	_ =	shalt  }
0x49: {  	_ =	shalt  }
0x4a: {  	_ =	shalt  }
0x4b: {  	_ =	shalt  }
0x4c: {  	_ =	shalt  }
0x4d: {  	_ =	shalt  }
0x4e: {  	_ =	shalt  }
0x4f: {  	_ =	shalt  }
0x50: {  	_ =	shalt  }
0x51: {  	_ =	shalt  }
0x52: {  	_ =	shalt  }
0x53: {  	_ =	shalt  }
0x54: {  	_ =	shalt  }
0x55: {  	_ =	shalt  }
0x56: {  	_ =	shalt  }
0x57: {  	_ =	shalt  }
0x58: {  	_ =	shalt  }
0x59: {  	_ =	shalt  }
0x5a: {  	_ =	shalt  }
0x5b: {  	_ =	shalt  }
0x5c: {  	_ =	shalt  }
0x5d: {  	_ =	shalt  }
0x5e: {  	_ =	shalt  }
0x5f: {  	_ =	shalt  }
0x60: {  	_ =	shalt  }
0x61: {  	_ =	shalt  }
0x62: {  	_ =	shalt  }
0x63: {  	_ =	shalt  }
0x64: {  	_ =	shalt  }
0x65: {  	_ =	shalt  }
0x66: {  	_ =	shalt  }
0x67: {  	_ =	shalt  }
0x68: {  	_ =	shalt  }
0x69: {  	_ =	shalt  }
0x6a: {  	_ =	shalt  }
0x6b: {  	_ =	shalt  }
0x6c: {  	_ =	shalt  }
0x6d: {  	_ =	shalt  }
0x6e: {  	_ =	shalt  }
0x6f: {  	_ =	shalt  }
0x70: {  	_ =	shalt  }
0x71: {  	_ =	shalt  }
0x72: {  	_ =	shalt  }
0x73: {  	_ =	shalt  }
0x74: {  	_ =	shalt  }
0x75: {  	_ =	shalt  }
0x76: {  	_ =	shalt  }
0x77: {  	_ =	shalt  }
0x78: {  	_ =	shalt  }
0x79: {  	_ =	shalt  }
0x7a: {  	_ =	shalt  }
0x7b: {  	_ =	shalt  }
0x7c: {  	_ =	shalt  }
0x7d: {  	_ =	shalt  }
0x7e: {  	_ =	shalt  }
0x7f: {  	_ =	shalt  }
0x80: {  	_ =	shalt  }
0x81: {  	_ =	shalt  }
0x82: {  	_ =	shalt  }
0x83: {  	_ =	shalt  }
0x84: {  	_ =	shalt  }
0x85: {  	_ =	shalt  }
0x86: {  	_ =	shalt  }
0x87: {  	_ =	shalt  }
.Lfunc_end0:
.L_simem_size_0:
called_computation_lowered:
.L_overlay_start_0:
0x88: {  	s2 =	sld [smem:$0x3FD9]  }
0x89: {  	s3 =	sld [smem:$0x3FFE];
	_ =	sdelay $0x1  }
0x8a: {  	s1 =	srdreg.scid  }
0x8b: {  	s0 =	sand.u32 $0x1, s1  }
0x8c: {  	s16 =	sshll.u32 s0, $0xA;
	s2 =	sadd.s32 s3, s2  }
0x8d: {  	s2 =	sadd.s32 s2, s16  }
0x8e: {  	[smem:$0x3FAC] =	sst s2  }
0x8f: {  	_ = 	snop  }
0x90: {  	(tm) =	ssettm $0x1  }
0x91: {  	s17 =	sld [smem:$0x3FFB];
	_ =	sdelay $0x3  }
0x92: {  	_ =	strace s17  }
0x93: {  	s2 =	sld [smem:$0x3FFC];
	_ =	sdelay $0x3  }
0x94: {  	_ =	strace s2  }
0x95: {  	s2 =	sld [smem:$0x3FFD];
	_ =	sdelay $0x3  }
0x96: {  	_ =	strace s2  }
0x97: {  	_ =	strace $0x8FFFFFFF  }
0x98: {  	s18 =	sld [smem:$0x3FDB];
	_ =	sdelay $0x1  }
0x99: {  	s19 =	simm.s32 $_scs_section_size  }
0x9a: {  	s4 =	simm.s32 $_size__tile_overlayer_lowered;
	s5 =	simm.s32 $_tile_overlayer_lowered  }
0x9b: {  	s22 =	simm.s32 $0x1BFF;
	s21 =	sshll.u32 s5, $0x1;
	s2 =	sadd.s32 s19, s18  }
0x9c: {  	s6 =	simm.s32 $0x0;
	s20 =	sshll.u32 s4, $0x1;
	s4 =	sadd.s32 s21, s2  }
0x9d: {  	[timem:s6], [sflag:s22] =	dma.local [hbm:s4], s20  }
0x9e: {  	_ =	swait.ge [sflag:s22], s20  }
0x9f: {  	s3 =	ssub.s32 $0x0, s20;
	[sflag:s22] =	ssyncset.done $0x0  }
0xa0: {  	[sflag:s22] =	ssyncadd.s32 s3;
	_ =	sdelay $0x1  }
0xa1: {  	s23 =	simm.s32 $0x1B8B  }
0xa2: {  	_ =	swait.ge [sflag:s23], $0x1  }
0xa3: {  	[sflag:s23] =	ssyncset.done $0x0  }
0xa4: {  	s25 =	simm.s32 $0x1B8E;
	s24 =	sld [smem:$0x3FFE];
	[sflag:s23] =	ssyncadd.s32 $0xFFFFFFFF  }
0xa5: {  	s26 =	simm.s32 $execute0_lowered;
	[smem:$0x3FD2] =	sst s25  }
0xa6: {  	s4 =	sshll.u32 s26, $0x1;
	_ =	strace $0x80000046;
	[dreg:$0x1] =	wrdreg $0xFFFFFFFF  }
0xa7: {  	s28 =	simm.s32 $_size_execute0_lowered;
	s2 =	sadd.s32 s2, s4;
	[dreg:$0x0] =	wrdreg $0x0  }
0xa8: {  	s4 =	sshll.u32 s28, $0x1;
	[dreg:$0x2] =	wrdreg s2  }
0xa9: {  	[dreg:$0x3] =	wrdreg s4  }
0xaa: {  	[dreg:$0x4] =	wrdreg $0xC0  }
0xab: {  	_ =	task [dreg:s6], $0x5FFFF  }
0xac: {  	[dreg:$0x1] =	wrdreg $0xFFFFFFFF  }
0xad: {  	[dreg:$0x0] =	wrdreg $0x60  }
0xae: {  	[dreg:$0x2] =	wrdreg s24  }
0xaf: {  	[dreg:$0x3] =	wrdreg $0x9  }
0xb0: {  	_ =	task.clear_ibuf [dreg:s6], $0x4FFFF;
	_ =	strace $0x90000046  }
0xb1: {  	s29 =	simm.s32 $0x9;
	_ =	strace $0x80000048  }
0xb2: {  	_ =	swait.ge [sflag:s29], $0x1  }
0xb3: {  	[sflag:s29] =	ssyncadd.s32 $0xFFFFFFFF  }
0xb4: {  	_ =	strace $0x90000048  }
0xb5: {  	_ =	sfence  }
0xb6: {  	s30 =	sld [smem:$0x0];
	_ =	sdelay $0x2  }
0xb7: {  	s31 =	sshll.u32 s1, $0xD;
	s1 =	sshrl.u32 s1, $0x2  }
0xb8: {  	s3 =	sand.u32 $0x4000, s31;
	s1 =	sadd.s32 s1, s30  }
0xb9: {  	s0 =	sor.u32 s3, s0;
	s1 =	sshll.u32 s1, $0x11  }
0xba: {  	s0 =	sor.u32 s1, s0  }
0xbb: {  	s0 =	sadd.s32 $0x8F2B, s0  }
0xbc: {  	[sflag:s0] =	ssyncadd.remote.s32 $0x1  }
0xbd: {  	_ =	sfence.sel $0xFFFF  }
0xbe: {  	[dreg:$0x0] =	wrdreg $0xFFFFFFFF;
	(pc) =	sbr.abs _section_cstart, $3  }
0xbf: {  	[dreg:$0x1] =	wrdreg $0xFFFFFFFF  }
0xc0: {  	_ =	task.clear_ibuf [dreg:s6], $0x2FFFF;
	_ =	strace $0x9FFFFFFF  }
0xc1: {  	(tm) =	ssettm $0x7FFFFFFF  }
tec
execute0_lowered:
.L_overlay_start_1:
0x0: {  	(tag) =	ssettag $0x1  }
0x1: {  	s1 =	srdreg.scid  }
0x2: {  	s0 =	stileid.u32;
	s9 =	rddreg [dreg:$0x0];
	s6 =	sand.u32 $0x1, s1  }
0x3: {  	s7 =	simm.s32 $0x80;
	s30 =	sshll.u32 s0, $0x6;
	s2 =	sshll.u32 s6, $0x5  }
0x4: {  	s8 =	simm.s32 $0x1;
	s1 =	rddreg [dreg:$0x1];
	s10 =	sor.u32 s2, s30  }
0x5: {  	s5 =	sadd.s32 $0xF46C00, s9;
	s2 =	simm.s32 $0x0;
	s3 =	sshrl.u32 s10, $0x3  }
0x6: {  	s11 =	ssub.s32 $0x2, s6;
	[smem:$0x7FF] =	sst s2;
	s3 =	sadd.s32 s3, s9  }
0x7: {  	_ =	strace $0x80000047;
	s4 =	sadd.s32 $0x4800, s3;
	s3 =	simm.s32 $0x2  }
0x8: {  	[tilespmem:s2], [sflag:$0x2] =	stream.linear.gather [hbm4b:s4+s2], $0x20, $0x38;
	[tilespmem:$0x1080] =	vst v63  }
0x9: {  	s6 =	simm.s32 $0x20;
	s12 =	sshrl.u32 s11, $0x1;
	_ =	swait.ge [sflag:s3], $0x20  }
0xa: {  	s10 =	sshll.u32 s10, $0x4;
	s31 =	ssub.s32 s11, s12;
	[sflag:s3] =	ssyncset.done $0x0  }
0xb: {  	s9 =	sadd.s32 s10, s9;
	s10 =	smax.u32 s31, $0x1;
	[sflag:s3] =	ssyncadd.s32 $0xFFFFFFE0  }
0xc: {  	[tilespmem:s7], [sflag:$0x1] =	stream.indirect.gather [hbm4b:s5+s6], $0x80, s2, s6, $0xb8;
	[tilespmem:$0x1080] =	vst v63  }
0xd: {  	p0 =	sne.s32 s10, $0x1;
	_ =	swait.ge [sflag:s8], $0x1000  }
.Ltmp0:
0xe: {  	[sflag:s8] =	ssyncset.done $0x0;
	(pc) =	sbr.rel @!p0 .LBB2_2-.Ltmp0, $4  }
0xf: {  	s9 =	sadd.s32 $0x4A00, s9;
	[sflag:s8] =	ssyncadd.s32 $0xFFFFF000  }
0x10: {  	[hbm4b:s9+s2] =	stream.linear.scatter [tilespmem:s7], [sflag:$0x2], $0x1000, $0x38;
	[tilespmem:$0x1080] =	vst v63  }
0x11: {  	_ =	swait.ge [sflag:s3], $0x1000  }
0x12: {  	s10 =	sadd.s32 $0xFFFFFFFF, s10;
	[sflag:s3] =	ssyncset.done $0x0  }
.LBB2_1:
0x13: {  	p0 =	sne.s32 s10, $0x1;
	s10 =	sadd.s32 $0xFFFFFFFF, s10;
	[sflag:s3] =	ssyncadd.s32 $0xFFFFF000  }
0x14: {  	[tilespmem:s2], [sflag:$0x2] =	stream.linear.gather [hbm4b:s4+s2], $0x20, $0x38;
	[tilespmem:$0x1080] =	vst v63  }
0x15: {  	_ =	swait.ge [sflag:s3], $0x20  }
0x16: {  	[sflag:s3] =	ssyncset.done $0x0  }
0x17: {  	[sflag:s3] =	ssyncadd.s32 $0xFFFFFFE0  }
0x18: {  	[tilespmem:s7], [sflag:$0x1] =	stream.indirect.gather [hbm4b:s5+s6], $0x80, s2, s6, $0xb8;
	[tilespmem:$0x1080] =	vst v63  }
0x19: {  	_ =	swait.ge [sflag:s8], $0x1000  }
.Ltmp1:
0x1a: {  	[sflag:s8] =	ssyncset.done $0x0;
	(pc) =	sbr.rel @p0 .LBB2_1-.Ltmp1, $4  }
0x1b: {  	[sflag:s8] =	ssyncadd.s32 $0xFFFFF000  }
0x1c: {  	[hbm4b:s9+s2] =	stream.linear.scatter [tilespmem:s7], [sflag:$0x2], $0x1000, $0x38;
	[tilespmem:$0x1080] =	vst v63  }
0x1d: {  	_ =	swait.ge [sflag:s3], $0x1000  }
0x1e: {  	[sflag:s3] =	ssyncset.done $0x0  }
.LBB2_2:
0x1f: {  	[sflag:s3] =	ssyncadd.s32 $0xFFFFF000  }
0x20: {  	_ =	sfence.sel $0x180000  }
0x21: {  	[bflag:$0x0] =	sbarrier.arrive $0xFFFF  }
0x22: {  	p0 =	sne.s32 s0, $0x0;
	_ =	strace $0x90000047  }
0x23: {  	s0 =	sadd.s32 @!p0 $0x100000, s1;
	[bflag:$0x2] =	sbarrier.arrive $0xFFFF  }
0x24: {  	[sflag:s0] =	ssyncadd.tile.s32 @!p0 $0x1;
	_ =	shalt  }
.Lfunc_end2:
_tile_overlayer_lowered:
.L_overlay_start_2:
0x25: {  	(tag) =	ssettag $0x2  }
0x26: {  	s0 =	rddreg [dreg:$0x0];
	s2 =	stileid.u32  }
0x27: {  	s1 =	rddreg [dreg:$0x1];
	p0 =	sne.s32 s2, $0x0  }
0x28: {  	s3 =	rddreg [dreg:$0x2];
	[bflag:$0x3] =	sbarrier.arrive $0xFFFF;
	s2 =	simm.s32 @!p0 $0x1C02  }
0x29: {  	[timem:s3], [sflag:s2] =	dma.local @!p0 [hbm:s0], s1  }
0x2a: {  	s0 =	simm.s32 @!p0 $0x2  }
0x2b: {  	_ =	swait.ge @!p0 [sflag:s0], s1  }
0x2c: {  	s1 =	ssub.s32 @!p0 $0x0, s1;
	[sflag:s0] =	ssyncset.done @!p0 $0x0  }
0x2d: {  	[sflag:s0] =	ssyncadd.s32 @!p0 s1  }
0x2e: {  	[bflag:$0x3] =	sbarrier.arrive $0xFFFF  }
0x2f: {  	_ =	shalt  }

</sc_bundles>
